<compile_context>
chip_gen: v7x
topology: tpu7x:2x2x1
jax: 0.10.2.dev20260603
libtpu: 0.0.44.dev20260713+nightly
codegen_flags: <defaults>
</compile_context>

<pallas_src>
import functools

import jax
import jax.numpy as jnp
from jax import lax
from jax.experimental import pallas as pl
from jax.experimental.pallas import tpu as pltpu
from jax.experimental.pallas import tpu_sc as plsc

N = 10000
E = 320000
D = 128

BN = 1000
NB = N // BN

CHUNK = 128
CPT = 160
IB = 16
NBLK = CPT // IB
E_PAD = CPT * 16 * CHUNK
ACC = 20096
RPT = ACC // 16
PAD_ROW = 20090
CW = 8


def _leaky(v):
    return jnp.where(v >= 0, v, 0.01 * v)


def _idx_body(src_ref, typ_ref, dst_ref, g0_ref, g1_ref, s_ref):
    src = src_ref[...]
    typ = typ_ref[...]
    g0 = 2 * (src + typ * N)
    g0_ref[...] = g0
    g1_ref[...] = g0 + 1
    s_ref[...] = dst_ref[...] + typ * N


def _make_indices(src_p, typ_p, dst_p):
    rows = E_PAD // 128
    shp = jax.ShapeDtypeStruct((rows, 128), jnp.int32)
    return pl.pallas_call(_idx_body, out_shape=[shp, shp, shp])(
        src_p.reshape(rows, 128), typ_p.reshape(rows, 128),
        dst_p.reshape(rows, 128))


def _feat_body(des_ref, tweet_ref, num_ref, cat_ref,
               Wd_ref, bd_ref, Wt_ref, bt_ref, Wn_ref, bn_ref,
               Wc_ref, bc_ref, Win_ref, bin_ref, x_ref):
    d = _leaky(jnp.dot(des_ref[...], Wd_ref[...],
                       preferred_element_type=jnp.float32) + bd_ref[...])
    t = _leaky(jnp.dot(tweet_ref[...], Wt_ref[...],
                       preferred_element_type=jnp.float32) + bt_ref[...])
    n = _leaky(jnp.dot(num_ref[...], Wn_ref[...],
                       preferred_element_type=jnp.float32) + bn_ref[...])
    c = _leaky(jnp.dot(cat_ref[...], Wc_ref[...],
                       preferred_element_type=jnp.float32) + bc_ref[...])
    Win = Win_ref[...]
    acc = (jnp.dot(d, Win[0:32, :], preferred_element_type=jnp.float32)
           + jnp.dot(t, Win[32:64, :], preferred_element_type=jnp.float32)
           + jnp.dot(n, Win[64:96, :], preferred_element_type=jnp.float32)
           + jnp.dot(c, Win[96:128, :], preferred_element_type=jnp.float32))
    x_ref[...] = _leaky(acc + bin_ref[...])


def _features(des, tweet, num_prop, cat_prop, W_des, b_des, W_tweet, b_tweet,
              W_num, b_num, W_cat, b_cat, W_in, b_in):
    full = lambda shape: pl.BlockSpec(shape, lambda i: tuple(0 for _ in shape))
    return pl.pallas_call(
        _feat_body,
        grid=(NB,),
        in_specs=[
            pl.BlockSpec((BN, 768), lambda i: (i, 0)),
            pl.BlockSpec((BN, 768), lambda i: (i, 0)),
            pl.BlockSpec((BN, 5), lambda i: (i, 0)),
            pl.BlockSpec((BN, 3), lambda i: (i, 0)),
            full((768, 32)), full((1, 32)),
            full((768, 32)), full((1, 32)),
            full((5, 32)), full((1, 32)),
            full((3, 32)), full((1, 32)),
            full((128, 128)), full((1, 128)),
        ],
        out_specs=pl.BlockSpec((BN, 128), lambda i: (i, 0)),
        out_shape=jax.ShapeDtypeStruct((N, 128), jnp.float32),
    )(des, tweet, num_prop, cat_prop,
      W_des, b_des.reshape(1, 32), W_tweet, b_tweet.reshape(1, 32),
      W_num, b_num.reshape(1, 32), W_cat, b_cat.reshape(1, 32),
      W_in, b_in.reshape(1, 128))


def _h_body(x_ref, w_ref, h_ref):
    h_ref[...] = jnp.dot(x_ref[...], w_ref[0],
                         preferred_element_type=jnp.float32)


def _transform(x, rgcn_w):
    h = pl.pallas_call(
        _h_body,
        grid=(2, NB),
        in_specs=[
            pl.BlockSpec((BN, 128), lambda r, i: (i, 0)),
            pl.BlockSpec((1, 128, 128), lambda r, i: (r, 0, 0)),
        ],
        out_specs=pl.BlockSpec((BN, 128), lambda r, i: (r * NB + i, 0)),
        out_shape=jax.ShapeDtypeStruct((2 * N, 128), jnp.float32),
    )(x, rgcn_w)
    return h.reshape(4 * N, 64)


def _sc_pass(do_counts):
    mesh = plsc.VectorSubcoreMesh(core_axis_name="c", subcore_axis_name="s")
    out_type = [jax.ShapeDtypeStruct((2, ACC, 64), jnp.float32)]
    scratch = [
        pltpu.VMEM((IB, CHUNK), jnp.int32),
        pltpu.VMEM((IB, CHUNK), jnp.int32),
        pltpu.VMEM((CHUNK, 64), jnp.float32),
        pltpu.VMEM_SHARED((ACC, 64), jnp.float32),
        pltpu.SemaphoreType.DMA,
    ]
    if do_counts:
        out_type.append(jax.ShapeDtypeStruct((ACC, CW), jnp.float32))
        scratch += [
            pltpu.VMEM((CHUNK, CW), jnp.float32),
            pltpu.VMEM_SHARED((ACC, CW), jnp.float32),
        ]

    def body(h2, gidx, sidx, zer64, *rest):
        if do_counts:
            (zerc, ones, s2_out, c_out,
             gi_v, si_v, rows_v, acc, sem, ones_v, cacc) = rest
        else:
            s2_out, gi_v, si_v, rows_v, acc, sem = rest
        c = lax.axis_index("c")
        s = lax.axis_index("s")
        base = s * RPT
        pltpu.sync_copy(zer64, acc.at[pl.ds(base, RPT)])
        if do_counts:
            pltpu.sync_copy(zerc, cacc.at[pl.ds(base, RPT)])
            pltpu.sync_copy(ones, ones_v)
        plsc.subcore_barrier()

        def block(b, carry):
            pltpu.sync_copy(gidx.at[c, s, b], gi_v)
            pltpu.sync_copy(sidx.at[s, b], si_v)

            def step(k, inner):
                pltpu.async_copy(h2.at[gi_v.at[k]], rows_v, sem).wait()
                pltpu.sync_copy(rows_v, acc.at[si_v.at[k]], add=True)
                if do_counts:
                    @pl.when(c == 0)
                    def _():
                        pltpu.sync_copy(ones_v, cacc.at[si_v.at[k]], add=True)
                return inner

            return lax.fori_loop(0, IB, step, carry)

        lax.fori_loop(0, NBLK, block, 0)
        plsc.subcore_barrier()
        pltpu.sync_copy(acc.at[pl.ds(base, RPT)],
                        s2_out.at[c].at[pl.ds(base, RPT)])
        if do_counts:
            @pl.when(c == 0)
            def _():
                pltpu.sync_copy(cacc.at[pl.ds(base, RPT)],
                                c_out.at[pl.ds(base, RPT)])

    return functools.partial(
        pl.kernel, mesh=mesh, out_type=out_type, scratch_types=scratch,
        compiler_params=pltpu.CompilerParams(use_tc_tiling_on_sc=False),
    )(body)


_sc_messages_counts = _sc_pass(True)
_sc_messages = _sc_pass(False)


def _combine_core(x_ref, s0l, s0r, s1l, s1r, c0, c1, root_ref, bias_ref):
    inv0 = 1.0 / jnp.maximum(c0[:, 0:1], 1.0)
    inv1 = 1.0 / jnp.maximum(c1[:, 0:1], 1.0)
    m0 = jnp.concatenate([s0l[0], s0r[0]], axis=1) * inv0
    m1 = jnp.concatenate([s1l[0], s1r[0]], axis=1) * inv1
    base = jnp.dot(x_ref[...], root_ref[...],
                   preferred_element_type=jnp.float32) + bias_ref[...]
    return base + m0 + m1


def _comb_body(x_ref, s0l, s0r, s1l, s1r, c0, c1, root_ref, bias_ref, out_ref):
    out_ref[...] = _combine_core(x_ref, s0l[...], s0r[...], s1l[...], s1r[...],
                                 c0[...], c1[...], root_ref, bias_ref)


def _head_body(x_ref, s0l, s0r, s1l, s1r, c0, c1, root_ref, bias_ref,
               W1_ref, b1_ref, W2_ref, b2_ref, out_ref):
    x3 = _combine_core(x_ref, s0l[...], s0r[...], s1l[...], s1r[...],
                       c0[...], c1[...], root_ref, bias_ref)
    h = _leaky(jnp.dot(x3, W1_ref[...],
                       preferred_element_type=jnp.float32) + b1_ref[...])
    out_ref[...] = jnp.dot(h, W2_ref[...],
                           preferred_element_type=jnp.float32) + b2_ref[...]


def _rgcn_specs():
    full = lambda shape: pl.BlockSpec(shape, lambda i: tuple(0 for _ in shape))
    return [
        pl.BlockSpec((BN, 128), lambda i: (i, 0)),
        pl.BlockSpec((1, BN, 64), lambda i: (0, i, 0)),
        pl.BlockSpec((1, BN, 64), lambda i: (1, i, 0)),
        pl.BlockSpec((1, BN, 64), lambda i: (0, NB + i, 0)),
        pl.BlockSpec((1, BN, 64), lambda i: (1, NB + i, 0)),
        pl.BlockSpec((BN, CW), lambda i: (i, 0)),
        pl.BlockSpec((BN, CW), lambda i: (NB + i, 0)),
        full((128, 128)), full((1, 128)),
    ]


def _combine(x, s2, cnt, root, bias):
    return pl.pallas_call(
        _comb_body,
        grid=(NB,),
        in_specs=_rgcn_specs(),
        out_specs=pl.BlockSpec((BN, 128), lambda i: (i, 0)),
        out_shape=jax.ShapeDtypeStruct((N, 128), jnp.float32),
    )(x, s2, s2, s2, s2, cnt, cnt, root, bias.reshape(1, 128))


def _head(x, s2, cnt, root, bias, W1, b1, W2p, b2p):
    full = lambda shape: pl.BlockSpec(shape, lambda i: tuple(0 for _ in shape))
    return pl.pallas_call(
        _head_body,
        grid=(NB,),
        in_specs=_rgcn_specs() + [full((128, 128)), full((1, 128)),
                                  full((128, 128)), full((1, 128))],
        out_specs=pl.BlockSpec((BN, 128), lambda i: (i, 0)),
        out_shape=jax.ShapeDtypeStruct((N, 128), jnp.float32),
    )(x, s2, s2, s2, s2, cnt, cnt, root, bias.reshape(1, 128),
      W1, b1.reshape(1, 128), W2p, b2p)


def kernel(des, tweet, num_prop, cat_prop, edge_index, edge_type,
           W_des, b_des, W_tweet, b_tweet, W_num, b_num, W_cat, b_cat,
           W_in, b_in, rgcn_w, rgcn_root, rgcn_bias,
           W_out1, b_out1, W_out2, b_out2):
    pad = E_PAD - E
    src_p = jnp.concatenate([edge_index[0], jnp.zeros((pad,), jnp.int32)])
    dst_p = jnp.concatenate([edge_index[1],
                             jnp.full((pad,), PAD_ROW, jnp.int32)])
    typ_p = jnp.concatenate([edge_type, jnp.zeros((pad,), jnp.int32)])

    g0, g1, sx = _make_indices(src_p, typ_p, dst_p)
    gidx = jnp.stack([g0, g1]).reshape(2, 16, NBLK, IB, CHUNK)
    sidx = sx.reshape(16, NBLK, IB, CHUNK)

    zer64 = jnp.zeros((RPT, 64), jnp.float32)
    zerc = jnp.zeros((RPT, CW), jnp.float32)
    ones = jnp.ones((CHUNK, CW), jnp.float32)

    x = _features(des, tweet, num_prop, cat_prop, W_des, b_des,
                  W_tweet, b_tweet, W_num, b_num, W_cat, b_cat, W_in, b_in)

    h4 = _transform(x, rgcn_w)
    s2_1, cnt = _sc_messages_counts(h4, gidx, sidx, zer64, zerc, ones)
    x2 = _combine(x, s2_1, cnt, rgcn_root, rgcn_bias)

    h4b = _transform(x2, rgcn_w)
    (s2_2,) = _sc_messages(h4b, gidx, sidx, zer64)

    W2p = jnp.zeros((128, 128), jnp.float32).at[:, :2].set(W_out2)
    b2p = jnp.zeros((1, 128), jnp.float32).at[0, :2].set(b_out2)
    out = _head(x2, s2_2, cnt, rgcn_root, rgcn_bias, W_out1, b_out1, W2p, b2p)
    return out[:, :2]

# --- scband reference (transcript-rebuilt; emitter-appended) ---
"""Pipeline reference for scband-bot-rgcn-52518860095646 (READ-ONLY COPY).

The authoritative reference and input builder live on the scoring server;
editing this copy changes nothing except your own understanding.
"""

import jax, jax.numpy as jnp
import numpy as np

N = 10000
E = 320000
D = 128


def _leaky(x):
    return jnp.where(x >= 0, x, 0.01 * x)


def setup_inputs(seed: int = 0) -> dict:
    key = jax.random.key(seed)
    ks = jax.random.split(key, 20)

    def w(k, shape):
        fan_in = shape[-2]
        return (jax.random.normal(k, shape, jnp.float32) / np.sqrt(fan_in)).astype(jnp.float32)

    inp = {}
    inp['des'] = jax.random.normal(ks[0], (N, 768), jnp.float32)
    inp['tweet'] = jax.random.normal(ks[1], (N, 768), jnp.float32)
    inp['num_prop'] = jax.random.normal(ks[2], (N, 5), jnp.float32)
    inp['cat_prop'] = jax.random.normal(ks[3], (N, 3), jnp.float32)
    inp['edge_index'] = jax.random.randint(ks[4], (2, E), 0, N, jnp.int32)
    inp['edge_type'] = jax.random.randint(ks[5], (E,), 0, 2, jnp.int32)
    inp['W_des'] = w(ks[6], (768, D // 4)); inp['b_des'] = jnp.zeros((D // 4,), jnp.float32)
    inp['W_tweet'] = w(ks[7], (768, D // 4)); inp['b_tweet'] = jnp.zeros((D // 4,), jnp.float32)
    inp['W_num'] = w(ks[8], (5, D // 4)); inp['b_num'] = jnp.zeros((D // 4,), jnp.float32)
    inp['W_cat'] = w(ks[9], (3, D // 4)); inp['b_cat'] = jnp.zeros((D // 4,), jnp.float32)
    inp['W_in'] = w(ks[10], (D, D)); inp['b_in'] = jnp.zeros((D,), jnp.float32)
    inp['rgcn_w'] = w(ks[11], (2, D, D))
    inp['rgcn_root'] = w(ks[12], (D, D))
    inp['rgcn_bias'] = jnp.zeros((D,), jnp.float32)
    inp['W_out1'] = w(ks[13], (D, D)); inp['b_out1'] = jnp.zeros((D,), jnp.float32)
    inp['W_out2'] = w(ks[14], (D, 2)); inp['b_out2'] = jnp.zeros((2,), jnp.float32)
    return inp


def _rgcn(x, edge_index, edge_type, w, root, bias):
    # PyG RGCNConv with num_relations=2, aggr='mean', root_weight=True, bias=True
    src = edge_index[0]
    dst = edge_index[1]
    n = x.shape[0]
    out = x @ root + bias
    for r in range(2):
        mask = (edge_type == r).astype(x.dtype)
        msg = (x[src] @ w[r]) * mask[:, None]
        s = jax.ops.segment_sum(msg, dst, num_segments=n)
        cnt = jax.ops.segment_sum(mask, dst, num_segments=n)
        out = out + s / jnp.maximum(cnt, 1.0)[:, None]
    return out


def reference(des, tweet, num_prop, cat_prop, edge_index, edge_type,
              W_des, b_des, W_tweet, b_tweet, W_num, b_num, W_cat, b_cat,
              W_in, b_in, rgcn_w, rgcn_root, rgcn_bias,
              W_out1, b_out1, W_out2, b_out2):
    d = _leaky(des @ W_des + b_des)
    t = _leaky(tweet @ W_tweet + b_tweet)
    n = _leaky(num_prop @ W_num + b_num)
    c = _leaky(cat_prop @ W_cat + b_cat)
    x = jnp.concatenate((d, t, n, c), axis=1)
    x = _leaky(x @ W_in + b_in)
    # dropout is inference no-op (deterministic reference)
    x = _rgcn(x, edge_index, edge_type, rgcn_w, rgcn_root, rgcn_bias)
    x = _rgcn(x, edge_index, edge_type, rgcn_w, rgcn_root, rgcn_bias)
    x = _leaky(x @ W_out1 + b_out1)
    x = x @ W_out2 + b_out2
    return x

if __name__ == "__main__":
    import jax
    _d = setup_inputs()
    print(jax.jit(kernel)(*tuple(_d.values())))

</pallas_src>

<mosaic_0001>
#map = affine_map<(d0, d1) -> (0, 0)>
#map1 = affine_map<(d0, d1) -> (0, 0, 0, 0, 0)>
#map2 = affine_map<(d0, d1) -> (0, 0, 0, 0)>
#map3 = affine_map<(d0, d1) -> (0, 0, 0)>
module attributes {stable_mosaic.version = 14 : i64} {
  func.func @body(%arg0: i32, %arg1: i32, %arg2: memref<40000x64xf32, #tpu.memory_space<hbm>>, %arg3: memref<2x16x10x16x128xi32, #tpu.memory_space<hbm>>, %arg4: memref<16x10x16x128xi32, #tpu.memory_space<hbm>>, %arg5: memref<1256x64xf32, #tpu.memory_space<hbm>>, %arg6: memref<2x20096x64xf32, #tpu.memory_space<hbm>>, %arg7: memref<16x128xi32, #tpu.memory_space<vmem>>, %arg8: memref<16x128xi32, #tpu.memory_space<vmem>>, %arg9: memref<128x64xf32, #tpu.memory_space<vmem>>, %arg10: memref<20096x64xf32, #tpu.memory_space<vmem_shared>>, %arg11: memref<!tpu.dma_semaphore, #tpu.memory_space<semaphore_mem>>) attributes {dimension_semantics = [#tpu.dimension_semantics<core_parallel>, #tpu.dimension_semantics<subcore_parallel>], iteration_bounds = array<i64: 2, 16>, scalar_prefetch = 0 : i64, scratch_operands = 5 : i64, tpu.core_type = #tpu.core_type<sc_vector_subcore>, window_params = [{transform_indices = #map}, {transform_indices = #map1}, {transform_indices = #map2}, {transform_indices = #map}, {transform_indices = #map3}]} {
    %mul3A = arith.constant 1256 : i32
    %mul3A_0 = arith.muli %arg1, %mul3A : i32
    "tpu.region"() ({
      %run_scoped3A = tpu.sem_alloc : memref<!tpu.dma_semaphore, #tpu.memory_space<semaphore_mem>>
      %dma_start3A = arith.constant 0 : i32
      %dma_start3A_7 = tpu.memref_slice %arg10[%mul3A_0, %dma_start3A] : memref<20096x64xf32, #tpu.memory_space<vmem_shared>> -> memref<1256x64xf32, #tpu.memory_space<vmem_shared>>
      tpu.enqueue_dma source(%arg5 : memref<1256x64xf32, #tpu.memory_space<hbm>>) target(%dma_start3A_7 : memref<1256x64xf32, #tpu.memory_space<vmem_shared>>) target_semaphore(%run_scoped3A : memref<!tpu.dma_semaphore, #tpu.memory_space<semaphore_mem>>)
      %dma_wait3A = arith.constant 0 : i32
      %dma_wait3A_8 = tpu.memref_slice %arg10[%mul3A_0, %dma_wait3A] : memref<20096x64xf32, #tpu.memory_space<vmem_shared>> -> memref<1256x64xf32, #tpu.memory_space<vmem_shared>>
      tpu.wait_dma2 semaphore(%run_scoped3A : memref<!tpu.dma_semaphore, #tpu.memory_space<semaphore_mem>>) src(%arg5 : memref<1256x64xf32, #tpu.memory_space<hbm>>) dst(%dma_wait3A_8 : memref<1256x64xf32, #tpu.memory_space<vmem_shared>>)
      tpu.yield
    }) : () -> ()
    %barrier3A = arith.constant 0 : index
    tpu.barrier barrier_id(%barrier3A)
    %scan3A = arith.constant 0 : i32
    %scan3A_1 = arith.constant 0 : i32
    %scan3A_2 = arith.constant 10 : i32
    %scan3A_3 = arith.addi %scan3A_1, %scan3A_2 : i32
    %scan3A_4 = arith.constant 1 : i32
    scf.for %scan3A_7 = %scan3A_1 to %scan3A_3 step %scan3A_4  : i32 {
      "tpu.region"() ({
        %run_scoped3A = tpu.sem_alloc : memref<!tpu.dma_semaphore, #tpu.memory_space<semaphore_mem>>
        %dma_start3A = arith.constant 0 : i32
        %dma_start3A_13 = arith.constant 0 : i32
        %dma_start3A_14 = tpu.memref_slice %arg3[%arg0, %arg1, %scan3A_7, %dma_start3A, %dma_start3A_13] : memref<2x16x10x16x128xi32, #tpu.memory_space<hbm>> -> memref<1x1x1x16x128xi32, #tpu.memory_space<hbm>>
        %dma_start3A_15 = tpu.memref_squeeze %dma_start3A_14 : memref<1x1x1x16x128xi32, #tpu.memory_space<hbm>> -> memref<16x128xi32, #tpu.memory_space<hbm>>
        %dma_start3A_16 = arith.constant 0 : i32
        %dma_start3A_17 = arith.constant 0 : i32
        %dma_start3A_18 = tpu.memref_slice %arg3[%arg0, %arg1, %scan3A_7, %dma_start3A_16, %dma_start3A_17] : memref<2x16x10x16x128xi32, #tpu.memory_space<hbm>> -> memref<1x1x1x16x128xi32, #tpu.memory_space<hbm>>
        %dma_start3A_19 = tpu.memref_squeeze %dma_start3A_18 : memref<1x1x1x16x128xi32, #tpu.memory_space<hbm>> -> memref<16x128xi32, #tpu.memory_space<hbm>>
        tpu.enqueue_dma source(%dma_start3A_19 : memref<16x128xi32, #tpu.memory_space<hbm>>) target(%arg7 : memref<16x128xi32, #tpu.memory_space<vmem>>) target_semaphore(%run_scoped3A : memref<!tpu.dma_semaphore, #tpu.memory_space<semaphore_mem>>)
        %dma_wait3A = arith.constant 0 : i32
        %dma_wait3A_20 = arith.constant 0 : i32
        %dma_wait3A_21 = tpu.memref_slice %arg3[%arg0, %arg1, %scan3A_7, %dma_wait3A, %dma_wait3A_20] : memref<2x16x10x16x128xi32, #tpu.memory_space<hbm>> -> memref<1x1x1x16x128xi32, #tpu.memory_space<hbm>>
        %dma_wait3A_22 = tpu.memref_squeeze %dma_wait3A_21 : memref<1x1x1x16x128xi32, #tpu.memory_space<hbm>> -> memref<16x128xi32, #tpu.memory_space<hbm>>
        %dma_wait3A_23 = arith.constant 0 : i32
        %dma_wait3A_24 = arith.constant 0 : i32
        %dma_wait3A_25 = tpu.memref_slice %arg3[%arg0, %arg1, %scan3A_7, %dma_wait3A_23, %dma_wait3A_24] : memref<2x16x10x16x128xi32, #tpu.memory_space<hbm>> -> memref<1x1x1x16x128xi32, #tpu.memory_space<hbm>>
        %dma_wait3A_26 = tpu.memref_squeeze %dma_wait3A_25 : memref<1x1x1x16x128xi32, #tpu.memory_space<hbm>> -> memref<16x128xi32, #tpu.memory_space<hbm>>
        tpu.wait_dma2 semaphore(%run_scoped3A : memref<!tpu.dma_semaphore, #tpu.memory_space<semaphore_mem>>) src(%dma_wait3A_26 : memref<16x128xi32, #tpu.memory_space<hbm>>) dst(%arg7 : memref<16x128xi32, #tpu.memory_space<vmem>>)
        tpu.yield
      }) : () -> ()
      "tpu.region"() ({
        %run_scoped3A = tpu.sem_alloc : memref<!tpu.dma_semaphore, #tpu.memory_space<semaphore_mem>>
        %dma_start3A = arith.constant 0 : i32
        %dma_start3A_13 = arith.constant 0 : i32
        %dma_start3A_14 = tpu.memref_slice %arg4[%arg1, %scan3A_7, %dma_start3A, %dma_start3A_13] : memref<16x10x16x128xi32, #tpu.memory_space<hbm>> -> memref<1x1x16x128xi32, #tpu.memory_space<hbm>>
        %dma_start3A_15 = tpu.memref_squeeze %dma_start3A_14 : memref<1x1x16x128xi32, #tpu.memory_space<hbm>> -> memref<16x128xi32, #tpu.memory_space<hbm>>
        %dma_start3A_16 = arith.constant 0 : i32
        %dma_start3A_17 = arith.constant 0 : i32
        %dma_start3A_18 = tpu.memref_slice %arg4[%arg1, %scan3A_7, %dma_start3A_16, %dma_start3A_17] : memref<16x10x16x128xi32, #tpu.memory_space<hbm>> -> memref<1x1x16x128xi32, #tpu.memory_space<hbm>>
        %dma_start3A_19 = tpu.memref_squeeze %dma_start3A_18 : memref<1x1x16x128xi32, #tpu.memory_space<hbm>> -> memref<16x128xi32, #tpu.memory_space<hbm>>
        tpu.enqueue_dma source(%dma_start3A_19 : memref<16x128xi32, #tpu.memory_space<hbm>>) target(%arg8 : memref<16x128xi32, #tpu.memory_space<vmem>>) target_semaphore(%run_scoped3A : memref<!tpu.dma_semaphore, #tpu.memory_space<semaphore_mem>>)
        %dma_wait3A = arith.constant 0 : i32
        %dma_wait3A_20 = arith.constant 0 : i32
        %dma_wait3A_21 = tpu.memref_slice %arg4[%arg1, %scan3A_7, %dma_wait3A, %dma_wait3A_20] : memref<16x10x16x128xi32, #tpu.memory_space<hbm>> -> memref<1x1x16x128xi32, #tpu.memory_space<hbm>>
        %dma_wait3A_22 = tpu.memref_squeeze %dma_wait3A_21 : memref<1x1x16x128xi32, #tpu.memory_space<hbm>> -> memref<16x128xi32, #tpu.memory_space<hbm>>
        %dma_wait3A_23 = arith.constant 0 : i32
        %dma_wait3A_24 = arith.constant 0 : i32
        %dma_wait3A_25 = tpu.memref_slice %arg4[%arg1, %scan3A_7, %dma_wait3A_23, %dma_wait3A_24] : memref<16x10x16x128xi32, #tpu.memory_space<hbm>> -> memref<1x1x16x128xi32, #tpu.memory_space<hbm>>
        %dma_wait3A_26 = tpu.memref_squeeze %dma_wait3A_25 : memref<1x1x16x128xi32, #tpu.memory_space<hbm>> -> memref<16x128xi32, #tpu.memory_space<hbm>>
        tpu.wait_dma2 semaphore(%run_scoped3A : memref<!tpu.dma_semaphore, #tpu.memory_space<semaphore_mem>>) src(%dma_wait3A_26 : memref<16x128xi32, #tpu.memory_space<hbm>>) dst(%arg8 : memref<16x128xi32, #tpu.memory_space<vmem>>)
        tpu.yield
      }) : () -> ()
      %scan3A_8 = arith.constant 0 : i32
      %scan3A_9 = arith.constant 16 : i32
      %scan3A_10 = arith.addi %scan3A_8, %scan3A_9 : i32
      %scan3A_11 = arith.constant 1 : i32
      scf.for %scan3A_13 = %scan3A_8 to %scan3A_10 step %scan3A_11  : i32 {
        %dma_start3A = arith.constant 0 : i32
        %dma_start3A_14 = tpu.memref_slice %arg7[%scan3A_13, %dma_start3A] : memref<16x128xi32, #tpu.memory_space<vmem>> -> memref<1x128xi32, #tpu.memory_space<vmem>>
        %dma_start3A_15 = tpu.memref_squeeze %dma_start3A_14 : memref<1x128xi32, #tpu.memory_space<vmem>> -> memref<128xi32, #tpu.memory_space<vmem>>
        %dma_start3A_16 = arith.constant 0 : i32
        %dma_start3A_17 = arith.constant 0 : i32
        %dma_start3A_18 = tpu.memref_slice %arg2[%dma_start3A_16, %dma_start3A_17] : memref<40000x64xf32, #tpu.memory_space<hbm>> -> memref<40000x64xf32, #tpu.memory_space<hbm>>
        tpu.enqueue_indirect_dma source(%dma_start3A_18 : memref<40000x64xf32, #tpu.memory_space<hbm>>) target(%arg9 : memref<128x64xf32, #tpu.memory_space<vmem>>) offsets(%dma_start3A_15 : memref<128xi32, #tpu.memory_space<vmem>>) semaphore(%arg11 : memref<!tpu.dma_semaphore, #tpu.memory_space<semaphore_mem>>)
        %dma_wait3A = arith.constant 0 : i32
        %dma_wait3A_19 = tpu.memref_slice %arg7[%scan3A_13, %dma_wait3A] : memref<16x128xi32, #tpu.memory_space<vmem>> -> memref<1x128xi32, #tpu.memory_space<vmem>>
        %dma_wait3A_20 = tpu.memref_squeeze %dma_wait3A_19 : memref<1x128xi32, #tpu.memory_space<vmem>> -> memref<128xi32, #tpu.memory_space<vmem>>
        %dma_wait3A_21 = arith.constant 0 : i32
        %dma_wait3A_22 = arith.constant 0 : i32
        %dma_wait3A_23 = tpu.memref_slice %arg2[%dma_wait3A_21, %dma_wait3A_22] : memref<40000x64xf32, #tpu.memory_space<hbm>> -> memref<40000x64xf32, #tpu.memory_space<hbm>>
        tpu.wait_indirect_dma semaphore(%arg11 : memref<!tpu.dma_semaphore, #tpu.memory_space<semaphore_mem>>) src(%dma_wait3A_23 : memref<40000x64xf32, #tpu.memory_space<hbm>>) dst(%arg9 : memref<128x64xf32, #tpu.memory_space<vmem>>)
        "tpu.region"() ({
          %run_scoped3A = tpu.sem_alloc : memref<!tpu.dma_semaphore, #tpu.memory_space<semaphore_mem>>
          %dma_start3A_24 = arith.constant 0 : i32
          %dma_start3A_25 = tpu.memref_slice %arg8[%scan3A_13, %dma_start3A_24] : memref<16x128xi32, #tpu.memory_space<vmem>> -> memref<1x128xi32, #tpu.memory_space<vmem>>
          %dma_start3A_26 = tpu.memref_squeeze %dma_start3A_25 : memref<1x128xi32, #tpu.memory_space<vmem>> -> memref<128xi32, #tpu.memory_space<vmem>>
          %dma_start3A_27 = arith.constant 0 : i32
          %dma_start3A_28 = arith.constant 0 : i32
          %dma_start3A_29 = tpu.memref_slice %arg10[%dma_start3A_27, %dma_start3A_28] : memref<20096x64xf32, #tpu.memory_space<vmem_shared>> -> memref<20096x64xf32, #tpu.memory_space<vmem_shared>>
          tpu.enqueue_indirect_dma source(%arg9 : memref<128x64xf32, #tpu.memory_space<vmem>>) target(%dma_start3A_29 : memref<20096x64xf32, #tpu.memory_space<vmem_shared>>) offsets(%dma_start3A_26 : memref<128xi32, #tpu.memory_space<vmem>>) semaphore(%run_scoped3A : memref<!tpu.dma_semaphore, #tpu.memory_space<semaphore_mem>>) {add = true}
          %dma_wait3A_30 = arith.constant 0 : i32
          %dma_wait3A_31 = tpu.memref_slice %arg8[%scan3A_13, %dma_wait3A_30] : memref<16x128xi32, #tpu.memory_space<vmem>> -> memref<1x128xi32, #tpu.memory_space<vmem>>
          %dma_wait3A_32 = tpu.memref_squeeze %dma_wait3A_31 : memref<1x128xi32, #tpu.memory_space<vmem>> -> memref<128xi32, #tpu.memory_space<vmem>>
          %dma_wait3A_33 = arith.constant 0 : i32
          %dma_wait3A_34 = arith.constant 0 : i32
          %dma_wait3A_35 = tpu.memref_slice %arg10[%dma_wait3A_33, %dma_wait3A_34] : memref<20096x64xf32, #tpu.memory_space<vmem_shared>> -> memref<20096x64xf32, #tpu.memory_space<vmem_shared>>
          tpu.wait_indirect_dma semaphore(%run_scoped3A : memref<!tpu.dma_semaphore, #tpu.memory_space<semaphore_mem>>) src(%arg9 : memref<128x64xf32, #tpu.memory_space<vmem>>) dst(%dma_wait3A_35 : memref<20096x64xf32, #tpu.memory_space<vmem_shared>>)
          tpu.yield
        }) : () -> ()
      }
      %scan3A_12 = arith.constant 16 : i32
    }
    %scan3A_5 = arith.constant 10 : i32
    %barrier3A_6 = arith.constant 0 : index
    tpu.barrier barrier_id(%barrier3A_6)
    "tpu.region"() ({
      %run_scoped3A = tpu.sem_alloc : memref<!tpu.dma_semaphore, #tpu.memory_space<semaphore_mem>>
      %dma_start3A = arith.constant 0 : i32
      %dma_start3A_7 = arith.constant 0 : i32
      %dma_start3A_8 = tpu.memref_slice %arg6[%arg0, %dma_start3A, %dma_start3A_7] : memref<2x20096x64xf32, #tpu.memory_space<hbm>> -> memref<1x20096x64xf32, #tpu.memory_space<hbm>>
      %dma_start3A_9 = tpu.memref_squeeze %dma_start3A_8 : memref<1x20096x64xf32, #tpu.memory_space<hbm>> -> memref<20096x64xf32, #tpu.memory_space<hbm>>
      %dma_start3A_10 = arith.constant 0 : i32
      %dma_start3A_11 = tpu.memref_slice %dma_start3A_9[%mul3A_0, %dma_start3A_10] : memref<20096x64xf32, #tpu.memory_space<hbm>> -> memref<1256x64xf32, #tpu.memory_space<hbm>>
      %dma_start3A_12 = arith.constant 0 : i32
      %dma_start3A_13 = tpu.memref_slice %arg10[%mul3A_0, %dma_start3A_12] : memref<20096x64xf32, #tpu.memory_space<vmem_shared>> -> memref<1256x64xf32, #tpu.memory_space<vmem_shared>>
      tpu.enqueue_dma source(%dma_start3A_13 : memref<1256x64xf32, #tpu.memory_space<vmem_shared>>) target(%dma_start3A_11 : memref<1256x64xf32, #tpu.memory_space<hbm>>) target_semaphore(%run_scoped3A : memref<!tpu.dma_semaphore, #tpu.memory_space<semaphore_mem>>)
      %dma_wait3A = arith.constant 0 : i32
      %dma_wait3A_14 = arith.constant 0 : i32
      %dma_wait3A_15 = tpu.memref_slice %arg6[%arg0, %dma_wait3A, %dma_wait3A_14] : memref<2x20096x64xf32, #tpu.memory_space<hbm>> -> memref<1x20096x64xf32, #tpu.memory_space<hbm>>
      %dma_wait3A_16 = tpu.memref_squeeze %dma_wait3A_15 : memref<1x20096x64xf32, #tpu.memory_space<hbm>> -> memref<20096x64xf32, #tpu.memory_space<hbm>>
      %dma_wait3A_17 = arith.constant 0 : i32
      %dma_wait3A_18 = tpu.memref_slice %dma_wait3A_16[%mul3A_0, %dma_wait3A_17] : memref<20096x64xf32, #tpu.memory_space<hbm>> -> memref<1256x64xf32, #tpu.memory_space<hbm>>
      %dma_wait3A_19 = arith.constant 0 : i32
      %dma_wait3A_20 = tpu.memref_slice %arg10[%mul3A_0, %dma_wait3A_19] : memref<20096x64xf32, #tpu.memory_space<vmem_shared>> -> memref<1256x64xf32, #tpu.memory_space<vmem_shared>>
      tpu.wait_dma2 semaphore(%run_scoped3A : memref<!tpu.dma_semaphore, #tpu.memory_space<semaphore_mem>>) src(%dma_wait3A_20 : memref<1256x64xf32, #tpu.memory_space<vmem_shared>>) dst(%dma_wait3A_18 : memref<1256x64xf32, #tpu.memory_space<hbm>>)
      tpu.yield
    }) : () -> ()
    return
  }
}

#map = affine_map<(d0, d1) -> (0, 0)>
#map1 = affine_map<(d0, d1) -> (0, 0, 0, 0, 0)>
#map2 = affine_map<(d0, d1) -> (0, 0, 0, 0)>
#map3 = affine_map<(d0, d1) -> (0, 0, 0)>
module attributes {stable_mosaic.version = 14 : i64} {
  func.func @body(%arg0: i32, %arg1: i32, %arg2: memref<40000x64xf32, #tpu.memory_space<hbm>>, %arg3: memref<2x16x10x16x128xi32, #tpu.memory_space<hbm>>, %arg4: memref<16x10x16x128xi32, #tpu.memory_space<hbm>>, %arg5: memref<1256x64xf32, #tpu.memory_space<hbm>>, %arg6: memref<1256x8xf32, #tpu.memory_space<hbm>>, %arg7: memref<128x8xf32, #tpu.memory_space<hbm>>, %arg8: memref<2x20096x64xf32, #tpu.memory_space<hbm>>, %arg9: memref<20096x8xf32, #tpu.memory_space<hbm>>, %arg10: memref<16x128xi32, #tpu.memory_space<vmem>>, %arg11: memref<16x128xi32, #tpu.memory_space<vmem>>, %arg12: memref<128x64xf32, #tpu.memory_space<vmem>>, %arg13: memref<20096x64xf32, #tpu.memory_space<vmem_shared>>, %arg14: memref<!tpu.dma_semaphore, #tpu.memory_space<semaphore_mem>>, %arg15: memref<128x8xf32, #tpu.memory_space<vmem>>, %arg16: memref<20096x8xf32, #tpu.memory_space<vmem_shared>>) attributes {dimension_semantics = [#tpu.dimension_semantics<core_parallel>, #tpu.dimension_semantics<subcore_parallel>], iteration_bounds = array<i64: 2, 16>, scalar_prefetch = 0 : i64, scratch_operands = 7 : i64, tpu.core_type = #tpu.core_type<sc_vector_subcore>, window_params = [{transform_indices = #map}, {transform_indices = #map1}, {transform_indices = #map2}, {transform_indices = #map}, {transform_indices = #map}, {transform_indices = #map}, {transform_indices = #map3}, {transform_indices = #map}]} {
    %mul3A = arith.constant 1256 : i32
    %mul3A_0 = arith.muli %arg1, %mul3A : i32
    "tpu.region"() ({
      %run_scoped3A = tpu.sem_alloc : memref<!tpu.dma_semaphore, #tpu.memory_space<semaphore_mem>>
      %dma_start3A = arith.constant 0 : i32
      %dma_start3A_9 = tpu.memref_slice %arg13[%mul3A_0, %dma_start3A] : memref<20096x64xf32, #tpu.memory_space<vmem_shared>> -> memref<1256x64xf32, #tpu.memory_space<vmem_shared>>
      tpu.enqueue_dma source(%arg5 : memref<1256x64xf32, #tpu.memory_space<hbm>>) target(%dma_start3A_9 : memref<1256x64xf32, #tpu.memory_space<vmem_shared>>) target_semaphore(%run_scoped3A : memref<!tpu.dma_semaphore, #tpu.memory_space<semaphore_mem>>)
      %dma_wait3A = arith.constant 0 : i32
      %dma_wait3A_10 = tpu.memref_slice %arg13[%mul3A_0, %dma_wait3A] : memref<20096x64xf32, #tpu.memory_space<vmem_shared>> -> memref<1256x64xf32, #tpu.memory_space<vmem_shared>>
      tpu.wait_dma2 semaphore(%run_scoped3A : memref<!tpu.dma_semaphore, #tpu.memory_space<semaphore_mem>>) src(%arg5 : memref<1256x64xf32, #tpu.memory_space<hbm>>) dst(%dma_wait3A_10 : memref<1256x64xf32, #tpu.memory_space<vmem_shared>>)
      tpu.yield
    }) : () -> ()
    "tpu.region"() ({
      %run_scoped3A = tpu.sem_alloc : memref<!tpu.dma_semaphore, #tpu.memory_space<semaphore_mem>>
      %dma_start3A = arith.constant 0 : i32
      %dma_start3A_9 = tpu.memref_slice %arg16[%mul3A_0, %dma_start3A] : memref<20096x8xf32, #tpu.memory_space<vmem_shared>> -> memref<1256x8xf32, #tpu.memory_space<vmem_shared>>
      tpu.enqueue_dma source(%arg6 : memref<1256x8xf32, #tpu.memory_space<hbm>>) target(%dma_start3A_9 : memref<1256x8xf32, #tpu.memory_space<vmem_shared>>) target_semaphore(%run_scoped3A : memref<!tpu.dma_semaphore, #tpu.memory_space<semaphore_mem>>)
      %dma_wait3A = arith.constant 0 : i32
      %dma_wait3A_10 = tpu.memref_slice %arg16[%mul3A_0, %dma_wait3A] : memref<20096x8xf32, #tpu.memory_space<vmem_shared>> -> memref<1256x8xf32, #tpu.memory_space<vmem_shared>>
      tpu.wait_dma2 semaphore(%run_scoped3A : memref<!tpu.dma_semaphore, #tpu.memory_space<semaphore_mem>>) src(%arg6 : memref<1256x8xf32, #tpu.memory_space<hbm>>) dst(%dma_wait3A_10 : memref<1256x8xf32, #tpu.memory_space<vmem_shared>>)
      tpu.yield
    }) : () -> ()
    "tpu.region"() ({
      %run_scoped3A = tpu.sem_alloc : memref<!tpu.dma_semaphore, #tpu.memory_space<semaphore_mem>>
      tpu.enqueue_dma source(%arg7 : memref<128x8xf32, #tpu.memory_space<hbm>>) target(%arg15 : memref<128x8xf32, #tpu.memory_space<vmem>>) target_semaphore(%run_scoped3A : memref<!tpu.dma_semaphore, #tpu.memory_space<semaphore_mem>>)
      tpu.wait_dma2 semaphore(%run_scoped3A : memref<!tpu.dma_semaphore, #tpu.memory_space<semaphore_mem>>) src(%arg7 : memref<128x8xf32, #tpu.memory_space<hbm>>) dst(%arg15 : memref<128x8xf32, #tpu.memory_space<vmem>>)
      tpu.yield
    }) : () -> ()
    %barrier3A = arith.constant 0 : index
    tpu.barrier barrier_id(%barrier3A)
    %scan3A = arith.constant 0 : i32
    %scan3A_1 = arith.constant 0 : i32
    %scan3A_2 = arith.constant 10 : i32
    %scan3A_3 = arith.addi %scan3A_1, %scan3A_2 : i32
    %scan3A_4 = arith.constant 1 : i32
    scf.for %scan3A_9 = %scan3A_1 to %scan3A_3 step %scan3A_4  : i32 {
      "tpu.region"() ({
        %run_scoped3A = tpu.sem_alloc : memref<!tpu.dma_semaphore, #tpu.memory_space<semaphore_mem>>
        %dma_start3A = arith.constant 0 : i32
        %dma_start3A_15 = arith.constant 0 : i32
        %dma_start3A_16 = tpu.memref_slice %arg3[%arg0, %arg1, %scan3A_9, %dma_start3A, %dma_start3A_15] : memref<2x16x10x16x128xi32, #tpu.memory_space<hbm>> -> memref<1x1x1x16x128xi32, #tpu.memory_space<hbm>>
        %dma_start3A_17 = tpu.memref_squeeze %dma_start3A_16 : memref<1x1x1x16x128xi32, #tpu.memory_space<hbm>> -> memref<16x128xi32, #tpu.memory_space<hbm>>
        %dma_start3A_18 = arith.constant 0 : i32
        %dma_start3A_19 = arith.constant 0 : i32
        %dma_start3A_20 = tpu.memref_slice %arg3[%arg0, %arg1, %scan3A_9, %dma_start3A_18, %dma_start3A_19] : memref<2x16x10x16x128xi32, #tpu.memory_space<hbm>> -> memref<1x1x1x16x128xi32, #tpu.memory_space<hbm>>
        %dma_start3A_21 = tpu.memref_squeeze %dma_start3A_20 : memref<1x1x1x16x128xi32, #tpu.memory_space<hbm>> -> memref<16x128xi32, #tpu.memory_space<hbm>>
        tpu.enqueue_dma source(%dma_start3A_21 : memref<16x128xi32, #tpu.memory_space<hbm>>) target(%arg10 : memref<16x128xi32, #tpu.memory_space<vmem>>) target_semaphore(%run_scoped3A : memref<!tpu.dma_semaphore, #tpu.memory_space<semaphore_mem>>)
        %dma_wait3A = arith.constant 0 : i32
        %dma_wait3A_22 = arith.constant 0 : i32
        %dma_wait3A_23 = tpu.memref_slice %arg3[%arg0, %arg1, %scan3A_9, %dma_wait3A, %dma_wait3A_22] : memref<2x16x10x16x128xi32, #tpu.memory_space<hbm>> -> memref<1x1x1x16x128xi32, #tpu.memory_space<hbm>>
        %dma_wait3A_24 = tpu.memref_squeeze %dma_wait3A_23 : memref<1x1x1x16x128xi32, #tpu.memory_space<hbm>> -> memref<16x128xi32, #tpu.memory_space<hbm>>
        %dma_wait3A_25 = arith.constant 0 : i32
        %dma_wait3A_26 = arith.constant 0 : i32
        %dma_wait3A_27 = tpu.memref_slice %arg3[%arg0, %arg1, %scan3A_9, %dma_wait3A_25, %dma_wait3A_26] : memref<2x16x10x16x128xi32, #tpu.memory_space<hbm>> -> memref<1x1x1x16x128xi32, #tpu.memory_space<hbm>>
        %dma_wait3A_28 = tpu.memref_squeeze %dma_wait3A_27 : memref<1x1x1x16x128xi32, #tpu.memory_space<hbm>> -> memref<16x128xi32, #tpu.memory_space<hbm>>
        tpu.wait_dma2 semaphore(%run_scoped3A : memref<!tpu.dma_semaphore, #tpu.memory_space<semaphore_mem>>) src(%dma_wait3A_28 : memref<16x128xi32, #tpu.memory_space<hbm>>) dst(%arg10 : memref<16x128xi32, #tpu.memory_space<vmem>>)
        tpu.yield
      }) : () -> ()
      "tpu.region"() ({
        %run_scoped3A = tpu.sem_alloc : memref<!tpu.dma_semaphore, #tpu.memory_space<semaphore_mem>>
        %dma_start3A = arith.constant 0 : i32
        %dma_start3A_15 = arith.constant 0 : i32
        %dma_start3A_16 = tpu.memref_slice %arg4[%arg1, %scan3A_9, %dma_start3A, %dma_start3A_15] : memref<16x10x16x128xi32, #tpu.memory_space<hbm>> -> memref<1x1x16x128xi32, #tpu.memory_space<hbm>>
        %dma_start3A_17 = tpu.memref_squeeze %dma_start3A_16 : memref<1x1x16x128xi32, #tpu.memory_space<hbm>> -> memref<16x128xi32, #tpu.memory_space<hbm>>
        %dma_start3A_18 = arith.constant 0 : i32
        %dma_start3A_19 = arith.constant 0 : i32
        %dma_start3A_20 = tpu.memref_slice %arg4[%arg1, %scan3A_9, %dma_start3A_18, %dma_start3A_19] : memref<16x10x16x128xi32, #tpu.memory_space<hbm>> -> memref<1x1x16x128xi32, #tpu.memory_space<hbm>>
        %dma_start3A_21 = tpu.memref_squeeze %dma_start3A_20 : memref<1x1x16x128xi32, #tpu.memory_space<hbm>> -> memref<16x128xi32, #tpu.memory_space<hbm>>
        tpu.enqueue_dma source(%dma_start3A_21 : memref<16x128xi32, #tpu.memory_space<hbm>>) target(%arg11 : memref<16x128xi32, #tpu.memory_space<vmem>>) target_semaphore(%run_scoped3A : memref<!tpu.dma_semaphore, #tpu.memory_space<semaphore_mem>>)
        %dma_wait3A = arith.constant 0 : i32
        %dma_wait3A_22 = arith.constant 0 : i32
        %dma_wait3A_23 = tpu.memref_slice %arg4[%arg1, %scan3A_9, %dma_wait3A, %dma_wait3A_22] : memref<16x10x16x128xi32, #tpu.memory_space<hbm>> -> memref<1x1x16x128xi32, #tpu.memory_space<hbm>>
        %dma_wait3A_24 = tpu.memref_squeeze %dma_wait3A_23 : memref<1x1x16x128xi32, #tpu.memory_space<hbm>> -> memref<16x128xi32, #tpu.memory_space<hbm>>
        %dma_wait3A_25 = arith.constant 0 : i32
        %dma_wait3A_26 = arith.constant 0 : i32
        %dma_wait3A_27 = tpu.memref_slice %arg4[%arg1, %scan3A_9, %dma_wait3A_25, %dma_wait3A_26] : memref<16x10x16x128xi32, #tpu.memory_space<hbm>> -> memref<1x1x16x128xi32, #tpu.memory_space<hbm>>
        %dma_wait3A_28 = tpu.memref_squeeze %dma_wait3A_27 : memref<1x1x16x128xi32, #tpu.memory_space<hbm>> -> memref<16x128xi32, #tpu.memory_space<hbm>>
        tpu.wait_dma2 semaphore(%run_scoped3A : memref<!tpu.dma_semaphore, #tpu.memory_space<semaphore_mem>>) src(%dma_wait3A_28 : memref<16x128xi32, #tpu.memory_space<hbm>>) dst(%arg11 : memref<16x128xi32, #tpu.memory_space<vmem>>)
        tpu.yield
      }) : () -> ()
      %scan3A_10 = arith.constant 0 : i32
      %scan3A_11 = arith.constant 16 : i32
      %scan3A_12 = arith.addi %scan3A_10, %scan3A_11 : i32
      %scan3A_13 = arith.constant 1 : i32
      scf.for %scan3A_15 = %scan3A_10 to %scan3A_12 step %scan3A_13  : i32 {
        %dma_start3A = arith.constant 0 : i32
        %dma_start3A_16 = tpu.memref_slice %arg10[%scan3A_15, %dma_start3A] : memref<16x128xi32, #tpu.memory_space<vmem>> -> memref<1x128xi32, #tpu.memory_space<vmem>>
        %dma_start3A_17 = tpu.memref_squeeze %dma_start3A_16 : memref<1x128xi32, #tpu.memory_space<vmem>> -> memref<128xi32, #tpu.memory_space<vmem>>
        %dma_start3A_18 = arith.constant 0 : i32
        %dma_start3A_19 = arith.constant 0 : i32
        %dma_start3A_20 = tpu.memref_slice %arg2[%dma_start3A_18, %dma_start3A_19] : memref<40000x64xf32, #tpu.memory_space<hbm>> -> memref<40000x64xf32, #tpu.memory_space<hbm>>
        tpu.enqueue_indirect_dma source(%dma_start3A_20 : memref<40000x64xf32, #tpu.memory_space<hbm>>) target(%arg12 : memref<128x64xf32, #tpu.memory_space<vmem>>) offsets(%dma_start3A_17 : memref<128xi32, #tpu.memory_space<vmem>>) semaphore(%arg14 : memref<!tpu.dma_semaphore, #tpu.memory_space<semaphore_mem>>)
        %dma_wait3A = arith.constant 0 : i32
        %dma_wait3A_21 = tpu.memref_slice %arg10[%scan3A_15, %dma_wait3A] : memref<16x128xi32, #tpu.memory_space<vmem>> -> memref<1x128xi32, #tpu.memory_space<vmem>>
        %dma_wait3A_22 = tpu.memref_squeeze %dma_wait3A_21 : memref<1x128xi32, #tpu.memory_space<vmem>> -> memref<128xi32, #tpu.memory_space<vmem>>
        %dma_wait3A_23 = arith.constant 0 : i32
        %dma_wait3A_24 = arith.constant 0 : i32
        %dma_wait3A_25 = tpu.memref_slice %arg2[%dma_wait3A_23, %dma_wait3A_24] : memref<40000x64xf32, #tpu.memory_space<hbm>> -> memref<40000x64xf32, #tpu.memory_space<hbm>>
        tpu.wait_indirect_dma semaphore(%arg14 : memref<!tpu.dma_semaphore, #tpu.memory_space<semaphore_mem>>) src(%dma_wait3A_25 : memref<40000x64xf32, #tpu.memory_space<hbm>>) dst(%arg12 : memref<128x64xf32, #tpu.memory_space<vmem>>)
        "tpu.region"() ({
          %run_scoped3A = tpu.sem_alloc : memref<!tpu.dma_semaphore, #tpu.memory_space<semaphore_mem>>
          %dma_start3A_31 = arith.constant 0 : i32
          %dma_start3A_32 = tpu.memref_slice %arg11[%scan3A_15, %dma_start3A_31] : memref<16x128xi32, #tpu.memory_space<vmem>> -> memref<1x128xi32, #tpu.memory_space<vmem>>
          %dma_start3A_33 = tpu.memref_squeeze %dma_start3A_32 : memref<1x128xi32, #tpu.memory_space<vmem>> -> memref<128xi32, #tpu.memory_space<vmem>>
          %dma_start3A_34 = arith.constant 0 : i32
          %dma_start3A_35 = arith.constant 0 : i32
          %dma_start3A_36 = tpu.memref_slice %arg13[%dma_start3A_34, %dma_start3A_35] : memref<20096x64xf32, #tpu.memory_space<vmem_shared>> -> memref<20096x64xf32, #tpu.memory_space<vmem_shared>>
          tpu.enqueue_indirect_dma source(%arg12 : memref<128x64xf32, #tpu.memory_space<vmem>>) target(%dma_start3A_36 : memref<20096x64xf32, #tpu.memory_space<vmem_shared>>) offsets(%dma_start3A_33 : memref<128xi32, #tpu.memory_space<vmem>>) semaphore(%run_scoped3A : memref<!tpu.dma_semaphore, #tpu.memory_space<semaphore_mem>>) {add = true}
          %dma_wait3A_37 = arith.constant 0 : i32
          %dma_wait3A_38 = tpu.memref_slice %arg11[%scan3A_15, %dma_wait3A_37] : memref<16x128xi32, #tpu.memory_space<vmem>> -> memref<1x128xi32, #tpu.memory_space<vmem>>
          %dma_wait3A_39 = tpu.memref_squeeze %dma_wait3A_38 : memref<1x128xi32, #tpu.memory_space<vmem>> -> memref<128xi32, #tpu.memory_space<vmem>>
          %dma_wait3A_40 = arith.constant 0 : i32
          %dma_wait3A_41 = arith.constant 0 : i32
          %dma_wait3A_42 = tpu.memref_slice %arg13[%dma_wait3A_40, %dma_wait3A_41] : memref<20096x64xf32, #tpu.memory_space<vmem_shared>> -> memref<20096x64xf32, #tpu.memory_space<vmem_shared>>
          tpu.wait_indirect_dma semaphore(%run_scoped3A : memref<!tpu.dma_semaphore, #tpu.memory_space<semaphore_mem>>) src(%arg12 : memref<128x64xf32, #tpu.memory_space<vmem>>) dst(%dma_wait3A_42 : memref<20096x64xf32, #tpu.memory_space<vmem_shared>>)
          tpu.yield
        }) : () -> ()
        %eq3A_26 = arith.constant 0 : i32
        %eq3A_27 = arith.cmpi eq, %arg0, %eq3A_26 : i32
        %convert_element_type3A_28 = arith.extui %eq3A_27 : i1 to i32
        %cond3A_29 = arith.constant 0 : i32
        %cond3A_30 = arith.cmpi ne, %convert_element_type3A_28, %cond3A_29 : i32
        scf.if %cond3A_30 {
          "tpu.region"() ({
            %run_scoped3A = tpu.sem_alloc : memref<!tpu.dma_semaphore, #tpu.memory_space<semaphore_mem>>
            %dma_start3A_31 = arith.constant 0 : i32
            %dma_start3A_32 = tpu.memref_slice %arg11[%scan3A_15, %dma_start3A_31] : memref<16x128xi32, #tpu.memory_space<vmem>> -> memref<1x128xi32, #tpu.memory_space<vmem>>
            %dma_start3A_33 = tpu.memref_squeeze %dma_start3A_32 : memref<1x128xi32, #tpu.memory_space<vmem>> -> memref<128xi32, #tpu.memory_space<vmem>>
            %dma_start3A_34 = arith.constant 0 : i32
            %dma_start3A_35 = arith.constant 0 : i32
            %dma_start3A_36 = tpu.memref_slice %arg16[%dma_start3A_34, %dma_start3A_35] : memref<20096x8xf32, #tpu.memory_space<vmem_shared>> -> memref<20096x8xf32, #tpu.memory_space<vmem_shared>>
            tpu.enqueue_indirect_dma source(%arg15 : memref<128x8xf32, #tpu.memory_space<vmem>>) target(%dma_start3A_36 : memref<20096x8xf32, #tpu.memory_space<vmem_shared>>) offsets(%dma_start3A_33 : memref<128xi32, #tpu.memory_space<vmem>>) semaphore(%run_scoped3A : memref<!tpu.dma_semaphore, #tpu.memory_space<semaphore_mem>>) {add = true}
            %dma_wait3A_37 = arith.constant 0 : i32
            %dma_wait3A_38 = tpu.memref_slice %arg11[%scan3A_15, %dma_wait3A_37] : memref<16x128xi32, #tpu.memory_space<vmem>> -> memref<1x128xi32, #tpu.memory_space<vmem>>
            %dma_wait3A_39 = tpu.memref_squeeze %dma_wait3A_38 : memref<1x128xi32, #tpu.memory_space<vmem>> -> memref<128xi32, #tpu.memory_space<vmem>>
            %dma_wait3A_40 = arith.constant 0 : i32
            %dma_wait3A_41 = arith.constant 0 : i32
            %dma_wait3A_42 = tpu.memref_slice %arg16[%dma_wait3A_40, %dma_wait3A_41] : memref<20096x8xf32, #tpu.memory_space<vmem_shared>> -> memref<20096x8xf32, #tpu.memory_space<vmem_shared>>
            tpu.wait_indirect_dma semaphore(%run_scoped3A : memref<!tpu.dma_semaphore, #tpu.memory_space<semaphore_mem>>) src(%arg15 : memref<128x8xf32, #tpu.memory_space<vmem>>) dst(%dma_wait3A_42 : memref<20096x8xf32, #tpu.memory_space<vmem_shared>>)
            tpu.yield
          }) : () -> ()
        } else {
        }
      }
      %scan3A_14 = arith.constant 16 : i32
    }
    %scan3A_5 = arith.constant 10 : i32
    %barrier3A_6 = arith.constant 0 : index
    tpu.barrier barrier_id(%barrier3A_6)
    "tpu.region"() ({
      %run_scoped3A = tpu.sem_alloc : memref<!tpu.dma_semaphore, #tpu.memory_space<semaphore_mem>>
      %dma_start3A = arith.constant 0 : i32
      %dma_start3A_9 = arith.constant 0 : i32
      %dma_start3A_10 = tpu.memref_slice %arg8[%arg0, %dma_start3A, %dma_start3A_9] : memref<2x20096x64xf32, #tpu.memory_space<hbm>> -> memref<1x20096x64xf32, #tpu.memory_space<hbm>>
      %dma_start3A_11 = tpu.memref_squeeze %dma_start3A_10 : memref<1x20096x64xf32, #tpu.memory_space<hbm>> -> memref<20096x64xf32, #tpu.memory_space<hbm>>
      %dma_start3A_12 = arith.constant 0 : i32
      %dma_start3A_13 = tpu.memref_slice %dma_start3A_11[%mul3A_0, %dma_start3A_12] : memref<20096x64xf32, #tpu.memory_space<hbm>> -> memref<1256x64xf32, #tpu.memory_space<hbm>>
      %dma_start3A_14 = arith.constant 0 : i32
      %dma_start3A_15 = tpu.memref_slice %arg13[%mul3A_0, %dma_start3A_14] : memref<20096x64xf32, #tpu.memory_space<vmem_shared>> -> memref<1256x64xf32, #tpu.memory_space<vmem_shared>>
      tpu.enqueue_dma source(%dma_start3A_15 : memref<1256x64xf32, #tpu.memory_space<vmem_shared>>) target(%dma_start3A_13 : memref<1256x64xf32, #tpu.memory_space<hbm>>) target_semaphore(%run_scoped3A : memref<!tpu.dma_semaphore, #tpu.memory_space<semaphore_mem>>)
      %dma_wait3A = arith.constant 0 : i32
      %dma_wait3A_16 = arith.constant 0 : i32
      %dma_wait3A_17 = tpu.memref_slice %arg8[%arg0, %dma_wait3A, %dma_wait3A_16] : memref<2x20096x64xf32, #tpu.memory_space<hbm>> -> memref<1x20096x64xf32, #tpu.memory_space<hbm>>
      %dma_wait3A_18 = tpu.memref_squeeze %dma_wait3A_17 : memref<1x20096x64xf32, #tpu.memory_space<hbm>> -> memref<20096x64xf32, #tpu.memory_space<hbm>>
      %dma_wait3A_19 = arith.constant 0 : i32
      %dma_wait3A_20 = tpu.memref_slice %dma_wait3A_18[%mul3A_0, %dma_wait3A_19] : memref<20096x64xf32, #tpu.memory_space<hbm>> -> memref<1256x64xf32, #tpu.memory_space<hbm>>
      %dma_wait3A_21 = arith.constant 0 : i32
      %dma_wait3A_22 = tpu.memref_slice %arg13[%mul3A_0, %dma_wait3A_21] : memref<20096x64xf32, #tpu.memory_space<vmem_shared>> -> memref<1256x64xf32, #tpu.memory_space<vmem_shared>>
      tpu.wait_dma2 semaphore(%run_scoped3A : memref<!tpu.dma_semaphore, #tpu.memory_space<semaphore_mem>>) src(%dma_wait3A_22 : memref<1256x64xf32, #tpu.memory_space<vmem_shared>>) dst(%dma_wait3A_20 : memref<1256x64xf32, #tpu.memory_space<hbm>>)
      tpu.yield
    }) : () -> ()
    %eq3A = arith.constant 0 : i32
    %eq3A_7 = arith.cmpi eq, %arg0, %eq3A : i32
    %convert_element_type3A = arith.extui %eq3A_7 : i1 to i32
    %cond3A = arith.constant 0 : i32
    %cond3A_8 = arith.cmpi ne, %convert_element_type3A, %cond3A : i32
    scf.if %cond3A_8 {
      "tpu.region"() ({
        %run_scoped3A = tpu.sem_alloc : memref<!tpu.dma_semaphore, #tpu.memory_space<semaphore_mem>>
        %dma_start3A = arith.constant 0 : i32
        %dma_start3A_9 = tpu.memref_slice %arg9[%mul3A_0, %dma_start3A] : memref<20096x8xf32, #tpu.memory_space<hbm>> -> memref<1256x8xf32, #tpu.memory_space<hbm>>
        %dma_start3A_10 = arith.constant 0 : i32
        %dma_start3A_11 = tpu.memref_slice %arg16[%mul3A_0, %dma_start3A_10] : memref<20096x8xf32, #tpu.memory_space<vmem_shared>> -> memref<1256x8xf32, #tpu.memory_space<vmem_shared>>
        tpu.enqueue_dma source(%dma_start3A_11 : memref<1256x8xf32, #tpu.memory_space<vmem_shared>>) target(%dma_start3A_9 : memref<1256x8xf32, #tpu.memory_space<hbm>>) target_semaphore(%run_scoped3A : memref<!tpu.dma_semaphore, #tpu.memory_space<semaphore_mem>>)
        %dma_wait3A = arith.constant 0 : i32
        %dma_wait3A_12 = tpu.memref_slice %arg9[%mul3A_0, %dma_wait3A] : memref<20096x8xf32, #tpu.memory_space<hbm>> -> memref<1256x8xf32, #tpu.memory_space<hbm>>
        %dma_wait3A_13 = arith.constant 0 : i32
        %dma_wait3A_14 = tpu.memref_slice %arg16[%mul3A_0, %dma_wait3A_13] : memref<20096x8xf32, #tpu.memory_space<vmem_shared>> -> memref<1256x8xf32, #tpu.memory_space<vmem_shared>>
        tpu.wait_dma2 semaphore(%run_scoped3A : memref<!tpu.dma_semaphore, #tpu.memory_space<semaphore_mem>>) src(%dma_wait3A_14 : memref<1256x8xf32, #tpu.memory_space<vmem_shared>>) dst(%dma_wait3A_12 : memref<1256x8xf32, #tpu.memory_space<hbm>>)
        tpu.yield
      }) : () -> ()
    } else {
    }
    return
  }
}

module attributes {stable_mosaic.version = 14 : i64} {
  func.func @_h_body(%arg0: i32, %arg1: i32, %arg2: memref<1000x128xf32, #tpu.memory_space<vmem>>, %arg3: memref<1x128x128xf32, #tpu.memory_space<vmem>>, %arg4: memref<1000x128xf32, #tpu.memory_space<vmem>>) attributes {dimension_semantics = [#tpu.dimension_semantics<arbitrary>, #tpu.dimension_semantics<arbitrary>], iteration_bounds = array<i64: 2, 10>, scalar_prefetch = 0 : i64, scratch_operands = 0 : i64, tpu.core_type = #tpu.core_type<tc>, window_params = [{transform_indices = @transform_0, window_bounds = array<i64: 1000, 128>}, {transform_indices = @transform_1, window_bounds = array<i64: 1, 128, 128>}, {transform_indices = @transform_2, window_bounds = array<i64: 1000, 128>}]} {
    %get3A = arith.constant 0 : index
    %get3A_0 = arith.constant 0 : index
    %get3A_1 = vector.load %arg2[%get3A, %get3A_0] : memref<1000x128xf32, #tpu.memory_space<vmem>>, vector<1000x128xf32>
    %get3A_2 = arith.constant 0 : index
    %get3A_3 = arith.constant 0 : index
    %get3A_4 = arith.constant 0 : index
    %get3A_5 = vector.load %arg3[%get3A_2, %get3A_3, %get3A_4] : memref<1x128x128xf32, #tpu.memory_space<vmem>>, vector<1x128x128xf32>
    %get3A_6 = vector.shape_cast %get3A_5 : vector<1x128x128xf32> to vector<128x128xf32>
    %dot_general3A = arith.constant dense<0.000000e+00> : vector<1000x128xf32>
    %dot_general3A_7 = tpu.matmul %get3A_1, %get3A_6, %dot_general3A {dimension_numbers = #tpu.dot_dimension_numbers<[1], [0], [0], [1], [0, 0, 1, 1], [], []>, transpose_lhs_hint = false} : vector<1000x128xf32>, vector<128x128xf32>, vector<1000x128xf32> -> vector<1000x128xf32>
    %swap3A = arith.constant 0 : index
    %swap3A_8 = arith.constant 0 : index
    %swap3A_9 = vector.load %arg4[%swap3A, %swap3A_8] : memref<1000x128xf32, #tpu.memory_space<vmem>>, vector<1000x128xf32>
    tpu.vector_store %arg4[%swap3A, %swap3A_8], %dot_general3A_7 {strides = array<i32>} : memref<1000x128xf32, #tpu.memory_space<vmem>>, vector<1000x128xf32>,
    return
  }
  func.func @transform_0(%arg0: i32, %arg1: i32) -> (i32, i32) {
    %c0_i32 = arith.constant 0 : i32
    %c0_i32_0 = arith.constant 0 : i32
    return %arg1, %c0_i32 : i32, i32
  }
  func.func @transform_1(%arg0: i32, %arg1: i32) -> (i32, i32, i32) {
    %c0_i32 = arith.constant 0 : i32
    %c0_i32_0 = arith.constant 0 : i32
    %c0_i32_1 = arith.constant 0 : i32
    return %arg0, %c0_i32, %c0_i32_0 : i32, i32, i32
  }
  func.func @transform_2(%arg0: i32, %arg1: i32) -> (i32, i32) {
    %mul3A = arith.constant 10 : i32
    %mul3A_0 = arith.muli %arg0, %mul3A : i32
    %add3A = arith.addi %mul3A_0, %arg1 : i32
    %c0_i32 = arith.constant 0 : i32
    %c0_i32_1 = arith.constant 0 : i32
    return %add3A, %c0_i32 : i32, i32
  }
}

module attributes {stable_mosaic.version = 14 : i64} {
  func.func @_feat_body(%arg0: i32, %arg1: memref<1000x768xf32, #tpu.memory_space<vmem>>, %arg2: memref<1000x768xf32, #tpu.memory_space<vmem>>, %arg3: memref<1000x5xf32, #tpu.memory_space<vmem>>, %arg4: memref<1000x3xf32, #tpu.memory_space<vmem>>, %arg5: memref<768x32xf32, #tpu.memory_space<vmem>>, %arg6: memref<1x32xf32, #tpu.memory_space<vmem>>, %arg7: memref<768x32xf32, #tpu.memory_space<vmem>>, %arg8: memref<1x32xf32, #tpu.memory_space<vmem>>, %arg9: memref<5x32xf32, #tpu.memory_space<vmem>>, %arg10: memref<1x32xf32, #tpu.memory_space<vmem>>, %arg11: memref<3x32xf32, #tpu.memory_space<vmem>>, %arg12: memref<1x32xf32, #tpu.memory_space<vmem>>, %arg13: memref<128x128xf32, #tpu.memory_space<vmem>>, %arg14: memref<1x128xf32, #tpu.memory_space<vmem>>, %arg15: memref<1000x128xf32, #tpu.memory_space<vmem>>) attributes {dimension_semantics = [#tpu.dimension_semantics<arbitrary>], iteration_bounds = array<i64: 10>, scalar_prefetch = 0 : i64, scratch_operands = 0 : i64, tpu.core_type = #tpu.core_type<tc>, window_params = [{transform_indices = @transform_0, window_bounds = array<i64: 1000, 768>}, {transform_indices = @transform_1, window_bounds = array<i64: 1000, 768>}, {transform_indices = @transform_2, window_bounds = array<i64: 1000, 5>}, {transform_indices = @transform_3, window_bounds = array<i64: 1000, 3>}, {pipeline_mode = #tpu.pipeline_mode<synchronous>, transform_indices = @transform_4, window_bounds = array<i64: 768, 32>}, {pipeline_mode = #tpu.pipeline_mode<synchronous>, transform_indices = @transform_5, window_bounds = array<i64: 1, 32>}, {pipeline_mode = #tpu.pipeline_mode<synchronous>, transform_indices = @transform_6, window_bounds = array<i64: 768, 32>}, {pipeline_mode = #tpu.pipeline_mode<synchronous>, transform_indices = @transform_7, window_bounds = array<i64: 1, 32>}, {pipeline_mode = #tpu.pipeline_mode<synchronous>, transform_indices = @transform_8, window_bounds = array<i64: 5, 32>}, {pipeline_mode = #tpu.pipeline_mode<synchronous>, transform_indices = @transform_9, window_bounds = array<i64: 1, 32>}, {pipeline_mode = #tpu.pipeline_mode<synchronous>, transform_indices = @transform_10, window_bounds = array<i64: 3, 32>}, {pipeline_mode = #tpu.pipeline_mode<synchronous>, transform_indices = @transform_11, window_bounds = array<i64: 1, 32>}, {pipeline_mode = #tpu.pipeline_mode<synchronous>, transform_indices = @transform_12, window_bounds = array<i64: 128, 128>}, {pipeline_mode = #tpu.pipeline_mode<synchronous>, transform_indices = @transform_13, window_bounds = array<i64: 1, 128>}, {transform_indices = @transform_14, window_bounds = array<i64: 1000, 128>}]} {
    %get3A = arith.constant 0 : index
    %get3A_0 = arith.constant 0 : index
    %get3A_1 = vector.load %arg1[%get3A, %get3A_0] : memref<1000x768xf32, #tpu.memory_space<vmem>>, vector<1000x768xf32>
    %get3A_2 = arith.constant 0 : index
    %get3A_3 = arith.constant 0 : index
    %get3A_4 = vector.load %arg5[%get3A_2, %get3A_3] : memref<768x32xf32, #tpu.memory_space<vmem>>, vector<768x32xf32>
    %dot_general3A = arith.constant dense<0.000000e+00> : vector<1000x32xf32>
    %dot_general3A_5 = tpu.matmul %get3A_1, %get3A_4, %dot_general3A {dimension_numbers = #tpu.dot_dimension_numbers<[1], [0], [0], [1], [0, 0, 1, 1], [], []>, transpose_lhs_hint = false} : vector<1000x768xf32>, vector<768x32xf32>, vector<1000x32xf32> -> vector<1000x32xf32>
    %get3A_6 = arith.constant 0 : index
    %get3A_7 = arith.constant 0 : index
    %get3A_8 = vector.load %arg6[%get3A_6, %get3A_7] : memref<1x32xf32, #tpu.memory_space<vmem>>, vector<1x32xf32>
    %add3A = vector.broadcast %get3A_8 : vector<1x32xf32> to vector<1000x32xf32>
    %add3A_9 = arith.addf %dot_general3A_5, %add3A : vector<1000x32xf32>
    %ge3A = arith.constant 0.000000e+00 : f32
    %ge3A_10 = vector.broadcast %ge3A : f32 to vector<1000x32xf32>
    %ge3A_11 = arith.cmpf oge, %add3A_9, %ge3A_10 : vector<1000x32xf32>
    %mul3A = arith.constant 0.00999999977 : f32
    %mul3A_12 = vector.broadcast %mul3A : f32 to vector<1000x32xf32>
    %mul3A_13 = arith.mulf %mul3A_12, %add3A_9 : vector<1000x32xf32>
    %select_n3A = arith.select %ge3A_11, %add3A_9, %mul3A_13 : vector<1000x32xi1>, vector<1000x32xf32>
    %get3A_14 = arith.constant 0 : index
    %get3A_15 = arith.constant 0 : index
    %get3A_16 = vector.load %arg2[%get3A_14, %get3A_15] : memref<1000x768xf32, #tpu.memory_space<vmem>>, vector<1000x768xf32>
    %get3A_17 = arith.constant 0 : index
    %get3A_18 = arith.constant 0 : index
    %get3A_19 = vector.load %arg7[%get3A_17, %get3A_18] : memref<768x32xf32, #tpu.memory_space<vmem>>, vector<768x32xf32>
    %dot_general3A_20 = arith.constant dense<0.000000e+00> : vector<1000x32xf32>
    %dot_general3A_21 = tpu.matmul %get3A_16, %get3A_19, %dot_general3A_20 {dimension_numbers = #tpu.dot_dimension_numbers<[1], [0], [0], [1], [0, 0, 1, 1], [], []>, transpose_lhs_hint = false} : vector<1000x768xf32>, vector<768x32xf32>, vector<1000x32xf32> -> vector<1000x32xf32>
    %get3A_22 = arith.constant 0 : index
    %get3A_23 = arith.constant 0 : index
    %get3A_24 = vector.load %arg8[%get3A_22, %get3A_23] : memref<1x32xf32, #tpu.memory_space<vmem>>, vector<1x32xf32>
    %add3A_25 = vector.broadcast %get3A_24 : vector<1x32xf32> to vector<1000x32xf32>
    %add3A_26 = arith.addf %dot_general3A_21, %add3A_25 : vector<1000x32xf32>
    %ge3A_27 = arith.constant 0.000000e+00 : f32
    %ge3A_28 = vector.broadcast %ge3A_27 : f32 to vector<1000x32xf32>
    %ge3A_29 = arith.cmpf oge, %add3A_26, %ge3A_28 : vector<1000x32xf32>
    %mul3A_30 = arith.constant 0.00999999977 : f32
    %mul3A_31 = vector.broadcast %mul3A_30 : f32 to vector<1000x32xf32>
    %mul3A_32 = arith.mulf %mul3A_31, %add3A_26 : vector<1000x32xf32>
    %select_n3A_33 = arith.select %ge3A_29, %add3A_26, %mul3A_32 : vector<1000x32xi1>, vector<1000x32xf32>
    %get3A_34 = arith.constant 0 : index
    %get3A_35 = arith.constant 0 : index
    %get3A_36 = vector.load %arg3[%get3A_34, %get3A_35] : memref<1000x5xf32, #tpu.memory_space<vmem>>, vector<1000x5xf32>
    %get3A_37 = arith.constant 0 : index
    %get3A_38 = arith.constant 0 : index
    %get3A_39 = vector.load %arg9[%get3A_37, %get3A_38] : memref<5x32xf32, #tpu.memory_space<vmem>>, vector<5x32xf32>
    %dot_general3A_40 = arith.constant dense<0.000000e+00> : vector<1000x32xf32>
    %dot_general3A_41 = tpu.matmul %get3A_36, %get3A_39, %dot_general3A_40 {dimension_numbers = #tpu.dot_dimension_numbers<[1], [0], [0], [1], [0, 0, 1, 1], [], []>, transpose_lhs_hint = false} : vector<1000x5xf32>, vector<5x32xf32>, vector<1000x32xf32> -> vector<1000x32xf32>
    %get3A_42 = arith.constant 0 : index
    %get3A_43 = arith.constant 0 : index
    %get3A_44 = vector.load %arg10[%get3A_42, %get3A_43] : memref<1x32xf32, #tpu.memory_space<vmem>>, vector<1x32xf32>
    %add3A_45 = vector.broadcast %get3A_44 : vector<1x32xf32> to vector<1000x32xf32>
    %add3A_46 = arith.addf %dot_general3A_41, %add3A_45 : vector<1000x32xf32>
    %ge3A_47 = arith.constant 0.000000e+00 : f32
    %ge3A_48 = vector.broadcast %ge3A_47 : f32 to vector<1000x32xf32>
    %ge3A_49 = arith.cmpf oge, %add3A_46, %ge3A_48 : vector<1000x32xf32>
    %mul3A_50 = arith.constant 0.00999999977 : f32
    %mul3A_51 = vector.broadcast %mul3A_50 : f32 to vector<1000x32xf32>
    %mul3A_52 = arith.mulf %mul3A_51, %add3A_46 : vector<1000x32xf32>
    %select_n3A_53 = arith.select %ge3A_49, %add3A_46, %mul3A_52 : vector<1000x32xi1>, vector<1000x32xf32>
    %get3A_54 = arith.constant 0 : index
    %get3A_55 = arith.constant 0 : index
    %get3A_56 = vector.load %arg4[%get3A_54, %get3A_55] : memref<1000x3xf32, #tpu.memory_space<vmem>>, vector<1000x3xf32>
    %get3A_57 = arith.constant 0 : index
    %get3A_58 = arith.constant 0 : index
    %get3A_59 = vector.load %arg11[%get3A_57, %get3A_58] : memref<3x32xf32, #tpu.memory_space<vmem>>, vector<3x32xf32>
    %dot_general3A_60 = arith.constant dense<0.000000e+00> : vector<1000x32xf32>
    %dot_general3A_61 = tpu.matmul %get3A_56, %get3A_59, %dot_general3A_60 {dimension_numbers = #tpu.dot_dimension_numbers<[1], [0], [0], [1], [0, 0, 1, 1], [], []>, transpose_lhs_hint = false} : vector<1000x3xf32>, vector<3x32xf32>, vector<1000x32xf32> -> vector<1000x32xf32>
    %get3A_62 = arith.constant 0 : index
    %get3A_63 = arith.constant 0 : index
    %get3A_64 = vector.load %arg12[%get3A_62, %get3A_63] : memref<1x32xf32, #tpu.memory_space<vmem>>, vector<1x32xf32>
    %add3A_65 = vector.broadcast %get3A_64 : vector<1x32xf32> to vector<1000x32xf32>
    %add3A_66 = arith.addf %dot_general3A_61, %add3A_65 : vector<1000x32xf32>
    %ge3A_67 = arith.constant 0.000000e+00 : f32
    %ge3A_68 = vector.broadcast %ge3A_67 : f32 to vector<1000x32xf32>
    %ge3A_69 = arith.cmpf oge, %add3A_66, %ge3A_68 : vector<1000x32xf32>
    %mul3A_70 = arith.constant 0.00999999977 : f32
    %mul3A_71 = vector.broadcast %mul3A_70 : f32 to vector<1000x32xf32>
    %mul3A_72 = arith.mulf %mul3A_71, %add3A_66 : vector<1000x32xf32>
    %select_n3A_73 = arith.select %ge3A_69, %add3A_66, %mul3A_72 : vector<1000x32xi1>, vector<1000x32xf32>
    %get3A_74 = arith.constant 0 : index
    %get3A_75 = arith.constant 0 : index
    %get3A_76 = vector.load %arg13[%get3A_74, %get3A_75] : memref<128x128xf32, #tpu.memory_space<vmem>>, vector<128x128xf32>
    %slice3A = vector.extract_strided_slice %get3A_76 {offsets = [0, 0], sizes = [32, 128], strides = [1, 1]} : vector<128x128xf32> to vector<32x128xf32>
    %dot_general3A_77 = arith.constant dense<0.000000e+00> : vector<1000x128xf32>
    %dot_general3A_78 = tpu.matmul %select_n3A, %slice3A, %dot_general3A_77 {dimension_numbers = #tpu.dot_dimension_numbers<[1], [0], [0], [1], [0, 0, 1, 1], [], []>, transpose_lhs_hint = false} : vector<1000x32xf32>, vector<32x128xf32>, vector<1000x128xf32> -> vector<1000x128xf32>
    %slice3A_79 = vector.extract_strided_slice %get3A_76 {offsets = [32, 0], sizes = [32, 128], strides = [1, 1]} : vector<128x128xf32> to vector<32x128xf32>
    %dot_general3A_80 = arith.constant dense<0.000000e+00> : vector<1000x128xf32>
    %dot_general3A_81 = tpu.matmul %select_n3A_33, %slice3A_79, %dot_general3A_80 {dimension_numbers = #tpu.dot_dimension_numbers<[1], [0], [0], [1], [0, 0, 1, 1], [], []>, transpose_lhs_hint = false} : vector<1000x32xf32>, vector<32x128xf32>, vector<1000x128xf32> -> vector<1000x128xf32>
    %add3A_82 = arith.addf %dot_general3A_78, %dot_general3A_81 : vector<1000x128xf32>
    %slice3A_83 = vector.extract_strided_slice %get3A_76 {offsets = [64, 0], sizes = [32, 128], strides = [1, 1]} : vector<128x128xf32> to vector<32x128xf32>
    %dot_general3A_84 = arith.constant dense<0.000000e+00> : vector<1000x128xf32>
    %dot_general3A_85 = tpu.matmul %select_n3A_53, %slice3A_83, %dot_general3A_84 {dimension_numbers = #tpu.dot_dimension_numbers<[1], [0], [0], [1], [0, 0, 1, 1], [], []>, transpose_lhs_hint = false} : vector<1000x32xf32>, vector<32x128xf32>, vector<1000x128xf32> -> vector<1000x128xf32>
    %add3A_86 = arith.addf %add3A_82, %dot_general3A_85 : vector<1000x128xf32>
    %slice3A_87 = vector.extract_strided_slice %get3A_76 {offsets = [96, 0], sizes = [32, 128], strides = [1, 1]} : vector<128x128xf32> to vector<32x128xf32>
    %dot_general3A_88 = arith.constant dense<0.000000e+00> : vector<1000x128xf32>
    %dot_general3A_89 = tpu.matmul %select_n3A_73, %slice3A_87, %dot_general3A_88 {dimension_numbers = #tpu.dot_dimension_numbers<[1], [0], [0], [1], [0, 0, 1, 1], [], []>, transpose_lhs_hint = false} : vector<1000x32xf32>, vector<32x128xf32>, vector<1000x128xf32> -> vector<1000x128xf32>
    %add3A_90 = arith.addf %add3A_86, %dot_general3A_89 : vector<1000x128xf32>
    %get3A_91 = arith.constant 0 : index
    %get3A_92 = arith.constant 0 : index
    %get3A_93 = vector.load %arg14[%get3A_91, %get3A_92] : memref<1x128xf32, #tpu.memory_space<vmem>>, vector<1x128xf32>
    %add3A_94 = vector.broadcast %get3A_93 : vector<1x128xf32> to vector<1000x128xf32>
    %add3A_95 = arith.addf %add3A_90, %add3A_94 : vector<1000x128xf32>
    %ge3A_96 = arith.constant 0.000000e+00 : f32
    %ge3A_97 = vector.broadcast %ge3A_96 : f32 to vector<1000x128xf32>
    %ge3A_98 = arith.cmpf oge, %add3A_95, %ge3A_97 : vector<1000x128xf32>
    %mul3A_99 = arith.constant 0.00999999977 : f32
    %mul3A_100 = vector.broadcast %mul3A_99 : f32 to vector<1000x128xf32>
    %mul3A_101 = arith.mulf %mul3A_100, %add3A_95 : vector<1000x128xf32>
    %select_n3A_102 = arith.select %ge3A_98, %add3A_95, %mul3A_101 : vector<1000x128xi1>, vector<1000x128xf32>
    %swap3A = arith.constant 0 : index
    %swap3A_103 = arith.constant 0 : index
    %swap3A_104 = vector.load %arg15[%swap3A, %swap3A_103] : memref<1000x128xf32, #tpu.memory_space<vmem>>, vector<1000x128xf32>
    tpu.vector_store %arg15[%swap3A, %swap3A_103], %select_n3A_102 {strides = array<i32>} : memref<1000x128xf32, #tpu.memory_space<vmem>>, vector<1000x128xf32>,
    return
  }
  func.func @transform_0(%arg0: i32) -> (i32, i32) {
    %c0_i32 = arith.constant 0 : i32
    %c0_i32_0 = arith.constant 0 : i32
    return %arg0, %c0_i32 : i32, i32
  }
  func.func @transform_1(%arg0: i32) -> (i32, i32) {
    %c0_i32 = arith.constant 0 : i32
    %c0_i32_0 = arith.constant 0 : i32
    return %arg0, %c0_i32 : i32, i32
  }
  func.func @transform_2(%arg0: i32) -> (i32, i32) {
    %c0_i32 = arith.constant 0 : i32
    %c0_i32_0 = arith.constant 0 : i32
    return %arg0, %c0_i32 : i32, i32
  }
  func.func @transform_3(%arg0: i32) -> (i32, i32) {
    %c0_i32 = arith.constant 0 : i32
    %c0_i32_0 = arith.constant 0 : i32
    return %arg0, %c0_i32 : i32, i32
  }
  func.func @transform_4(%arg0: i32) -> (i32, i32) {
    %c0_i32 = arith.constant 0 : i32
    %c0_i32_0 = arith.constant 0 : i32
    %c0_i32_1 = arith.constant 0 : i32
    return %c0_i32, %c0_i32_0 : i32, i32
  }
  func.func @transform_5(%arg0: i32) -> (i32, i32) {
    %c0_i32 = arith.constant 0 : i32
    %c0_i32_0 = arith.constant 0 : i32
    %c0_i32_1 = arith.constant 0 : i32
    return %c0_i32, %c0_i32_0 : i32, i32
  }
  func.func @transform_6(%arg0: i32) -> (i32, i32) {
    %c0_i32 = arith.constant 0 : i32
    %c0_i32_0 = arith.constant 0 : i32
    %c0_i32_1 = arith.constant 0 : i32
    return %c0_i32, %c0_i32_0 : i32, i32
  }
  func.func @transform_7(%arg0: i32) -> (i32, i32) {
    %c0_i32 = arith.constant 0 : i32
    %c0_i32_0 = arith.constant 0 : i32
    %c0_i32_1 = arith.constant 0 : i32
    return %c0_i32, %c0_i32_0 : i32, i32
  }
  func.func @transform_8(%arg0: i32) -> (i32, i32) {
    %c0_i32 = arith.constant 0 : i32
    %c0_i32_0 = arith.constant 0 : i32
    %c0_i32_1 = arith.constant 0 : i32
    return %c0_i32, %c0_i32_0 : i32, i32
  }
  func.func @transform_9(%arg0: i32) -> (i32, i32) {
    %c0_i32 = arith.constant 0 : i32
    %c0_i32_0 = arith.constant 0 : i32
    %c0_i32_1 = arith.constant 0 : i32
    return %c0_i32, %c0_i32_0 : i32, i32
  }
  func.func @transform_10(%arg0: i32) -> (i32, i32) {
    %c0_i32 = arith.constant 0 : i32
    %c0_i32_0 = arith.constant 0 : i32
    %c0_i32_1 = arith.constant 0 : i32
    return %c0_i32, %c0_i32_0 : i32, i32
  }
  func.func @transform_11(%arg0: i32) -> (i32, i32) {
    %c0_i32 = arith.constant 0 : i32
    %c0_i32_0 = arith.constant 0 : i32
    %c0_i32_1 = arith.constant 0 : i32
    return %c0_i32, %c0_i32_0 : i32, i32
  }
  func.func @transform_12(%arg0: i32) -> (i32, i32) {
    %c0_i32 = arith.constant 0 : i32
    %c0_i32_0 = arith.constant 0 : i32
    %c0_i32_1 = arith.constant 0 : i32
    return %c0_i32, %c0_i32_0 : i32, i32
  }
  func.func @transform_13(%arg0: i32) -> (i32, i32) {
    %c0_i32 = arith.constant 0 : i32
    %c0_i32_0 = arith.constant 0 : i32
    %c0_i32_1 = arith.constant 0 : i32
    return %c0_i32, %c0_i32_0 : i32, i32
  }
  func.func @transform_14(%arg0: i32) -> (i32, i32) {
    %c0_i32 = arith.constant 0 : i32
    %c0_i32_0 = arith.constant 0 : i32
    return %arg0, %c0_i32 : i32, i32
  }
}

module attributes {stable_mosaic.version = 14 : i64} {
  func.func @_idx_body(%arg0: memref<2560x128xi32, #tpu.memory_space<vmem>>, %arg1: memref<2560x128xi32, #tpu.memory_space<vmem>>, %arg2: memref<2560x128xi32, #tpu.memory_space<vmem>>, %arg3: memref<2560x128xi32, #tpu.memory_space<vmem>>, %arg4: memref<2560x128xi32, #tpu.memory_space<vmem>>, %arg5: memref<2560x128xi32, #tpu.memory_space<vmem>>) attributes {dimension_semantics = [], scalar_prefetch = 0 : i64, scratch_operands = 0 : i64, tpu.core_type = #tpu.core_type<tc>} {
    %get3A = arith.constant 0 : index
    %get3A_0 = arith.constant 0 : index
    %get3A_1 = vector.load %arg0[%get3A, %get3A_0] : memref<2560x128xi32, #tpu.memory_space<vmem>>, vector<2560x128xi32>
    %get3A_2 = arith.constant 0 : index
    %get3A_3 = arith.constant 0 : index
    %get3A_4 = vector.load %arg1[%get3A_2, %get3A_3] : memref<2560x128xi32, #tpu.memory_space<vmem>>, vector<2560x128xi32>
    %mul3A = arith.constant 10000 : i32
    %mul3A_5 = vector.broadcast %mul3A : i32 to vector<2560x128xi32>
    %mul3A_6 = arith.muli %get3A_4, %mul3A_5 : vector<2560x128xi32>
    %add3A = arith.addi %get3A_1, %mul3A_6 : vector<2560x128xi32>
    %mul3A_7 = arith.constant 2 : i32
    %mul3A_8 = vector.broadcast %mul3A_7 : i32 to vector<2560x128xi32>
    %mul3A_9 = arith.muli %mul3A_8, %add3A : vector<2560x128xi32>
    %swap3A = arith.constant 0 : index
    %swap3A_10 = arith.constant 0 : index
    %swap3A_11 = vector.load %arg3[%swap3A, %swap3A_10] : memref<2560x128xi32, #tpu.memory_space<vmem>>, vector<2560x128xi32>
    tpu.vector_store %arg3[%swap3A, %swap3A_10], %mul3A_9 {strides = array<i32>} : memref<2560x128xi32, #tpu.memory_space<vmem>>, vector<2560x128xi32>,
    %add3A_12 = arith.constant 1 : i32
    %add3A_13 = vector.broadcast %add3A_12 : i32 to vector<2560x128xi32>
    %add3A_14 = arith.addi %mul3A_9, %add3A_13 : vector<2560x128xi32>
    %swap3A_15 = arith.constant 0 : index
    %swap3A_16 = arith.constant 0 : index
    %swap3A_17 = vector.load %arg4[%swap3A_15, %swap3A_16] : memref<2560x128xi32, #tpu.memory_space<vmem>>, vector<2560x128xi32>
    tpu.vector_store %arg4[%swap3A_15, %swap3A_16], %add3A_14 {strides = array<i32>} : memref<2560x128xi32, #tpu.memory_space<vmem>>, vector<2560x128xi32>,
    %get3A_18 = arith.constant 0 : index
    %get3A_19 = arith.constant 0 : index
    %get3A_20 = vector.load %arg2[%get3A_18, %get3A_19] : memref<2560x128xi32, #tpu.memory_space<vmem>>, vector<2560x128xi32>
    %mul3A_21 = arith.constant 10000 : i32
    %mul3A_22 = vector.broadcast %mul3A_21 : i32 to vector<2560x128xi32>
    %mul3A_23 = arith.muli %get3A_4, %mul3A_22 : vector<2560x128xi32>
    %add3A_24 = arith.addi %get3A_20, %mul3A_23 : vector<2560x128xi32>
    %swap3A_25 = arith.constant 0 : index
    %swap3A_26 = arith.constant 0 : index
    %swap3A_27 = vector.load %arg5[%swap3A_25, %swap3A_26] : memref<2560x128xi32, #tpu.memory_space<vmem>>, vector<2560x128xi32>
    tpu.vector_store %arg5[%swap3A_25, %swap3A_26], %add3A_24 {strides = array<i32>} : memref<2560x128xi32, #tpu.memory_space<vmem>>, vector<2560x128xi32>,
    return
  }
}

module attributes {stable_mosaic.version = 14 : i64} {
  func.func @_comb_body(%arg0: i32, %arg1: memref<1000x128xf32, #tpu.memory_space<vmem>>, %arg2: memref<1x1000x64xf32, #tpu.memory_space<vmem>>, %arg3: memref<1x1000x64xf32, #tpu.memory_space<vmem>>, %arg4: memref<1x1000x64xf32, #tpu.memory_space<vmem>>, %arg5: memref<1x1000x64xf32, #tpu.memory_space<vmem>>, %arg6: memref<1000x8xf32, #tpu.memory_space<vmem>>, %arg7: memref<1000x8xf32, #tpu.memory_space<vmem>>, %arg8: memref<128x128xf32, #tpu.memory_space<vmem>>, %arg9: memref<1x128xf32, #tpu.memory_space<vmem>>, %arg10: memref<1000x128xf32, #tpu.memory_space<vmem>>) attributes {dimension_semantics = [#tpu.dimension_semantics<arbitrary>], iteration_bounds = array<i64: 10>, scalar_prefetch = 0 : i64, scratch_operands = 0 : i64, tpu.core_type = #tpu.core_type<tc>, window_params = [{transform_indices = @transform_0, window_bounds = array<i64: 1000, 128>}, {transform_indices = @transform_1, window_bounds = array<i64: 1, 1000, 64>}, {transform_indices = @transform_2, window_bounds = array<i64: 1, 1000, 64>}, {transform_indices = @transform_3, window_bounds = array<i64: 1, 1000, 64>}, {transform_indices = @transform_4, window_bounds = array<i64: 1, 1000, 64>}, {transform_indices = @transform_5, window_bounds = array<i64: 1000, 8>}, {transform_indices = @transform_6, window_bounds = array<i64: 1000, 8>}, {pipeline_mode = #tpu.pipeline_mode<synchronous>, transform_indices = @transform_7, window_bounds = array<i64: 128, 128>}, {pipeline_mode = #tpu.pipeline_mode<synchronous>, transform_indices = @transform_8, window_bounds = array<i64: 1, 128>}, {transform_indices = @transform_9, window_bounds = array<i64: 1000, 128>}]} {
    %get3A = arith.constant 0 : index
    %get3A_0 = arith.constant 0 : index
    %get3A_1 = arith.constant 0 : index
    %get3A_2 = vector.load %arg2[%get3A, %get3A_0, %get3A_1] : memref<1x1000x64xf32, #tpu.memory_space<vmem>>, vector<1x1000x64xf32>
    %get3A_3 = arith.constant 0 : index
    %get3A_4 = arith.constant 0 : index
    %get3A_5 = arith.constant 0 : index
    %get3A_6 = vector.load %arg3[%get3A_3, %get3A_4, %get3A_5] : memref<1x1000x64xf32, #tpu.memory_space<vmem>>, vector<1x1000x64xf32>
    %get3A_7 = arith.constant 0 : index
    %get3A_8 = arith.constant 0 : index
    %get3A_9 = arith.constant 0 : index
    %get3A_10 = vector.load %arg4[%get3A_7, %get3A_8, %get3A_9] : memref<1x1000x64xf32, #tpu.memory_space<vmem>>, vector<1x1000x64xf32>
    %get3A_11 = arith.constant 0 : index
    %get3A_12 = arith.constant 0 : index
    %get3A_13 = arith.constant 0 : index
    %get3A_14 = vector.load %arg5[%get3A_11, %get3A_12, %get3A_13] : memref<1x1000x64xf32, #tpu.memory_space<vmem>>, vector<1x1000x64xf32>
    %get3A_15 = arith.constant 0 : index
    %get3A_16 = arith.constant 0 : index
    %get3A_17 = vector.load %arg6[%get3A_15, %get3A_16] : memref<1000x8xf32, #tpu.memory_space<vmem>>, vector<1000x8xf32>
    %get3A_18 = arith.constant 0 : index
    %get3A_19 = arith.constant 0 : index
    %get3A_20 = vector.load %arg7[%get3A_18, %get3A_19] : memref<1000x8xf32, #tpu.memory_space<vmem>>, vector<1000x8xf32>
    %slice3A = vector.extract_strided_slice %get3A_17 {offsets = [0, 0], sizes = [1000, 1], strides = [1, 1]} : vector<1000x8xf32> to vector<1000x1xf32>
    %max3A = arith.constant 1.000000e+00 : f32
    %max3A_21 = vector.broadcast %max3A : f32 to vector<1000x1xf32>
    %max3A_22 = arith.maximumf %slice3A, %max3A_21 : vector<1000x1xf32>
    %div3A = arith.constant 1.000000e+00 : f32
    %div3A_23 = vector.broadcast %div3A : f32 to vector<1000x1xf32>
    %div3A_24 = arith.divf %div3A_23, %max3A_22 : vector<1000x1xf32>
    %slice3A_25 = vector.extract_strided_slice %get3A_20 {offsets = [0, 0], sizes = [1000, 1], strides = [1, 1]} : vector<1000x8xf32> to vector<1000x1xf32>
    %max3A_26 = arith.constant 1.000000e+00 : f32
    %max3A_27 = vector.broadcast %max3A_26 : f32 to vector<1000x1xf32>
    %max3A_28 = arith.maximumf %slice3A_25, %max3A_27 : vector<1000x1xf32>
    %div3A_29 = arith.constant 1.000000e+00 : f32
    %div3A_30 = vector.broadcast %div3A_29 : f32 to vector<1000x1xf32>
    %div3A_31 = arith.divf %div3A_30, %max3A_28 : vector<1000x1xf32>
    %squeeze3A = vector.shape_cast %get3A_2 : vector<1x1000x64xf32> to vector<1000x64xf32>
    %squeeze3A_32 = vector.shape_cast %get3A_6 : vector<1x1000x64xf32> to vector<1000x64xf32>
    %concatenate3A = tpu.concatenate %squeeze3A, %squeeze3A_32 in 1 : vector<1000x64xf32>, vector<1000x64xf32> -> vector<1000x128xf32>
    %mul3A = vector.broadcast %div3A_24 : vector<1000x1xf32> to vector<1000x128xf32>
    %mul3A_33 = arith.mulf %concatenate3A, %mul3A : vector<1000x128xf32>
    %squeeze3A_34 = vector.shape_cast %get3A_10 : vector<1x1000x64xf32> to vector<1000x64xf32>
    %squeeze3A_35 = vector.shape_cast %get3A_14 : vector<1x1000x64xf32> to vector<1000x64xf32>
    %concatenate3A_36 = tpu.concatenate %squeeze3A_34, %squeeze3A_35 in 1 : vector<1000x64xf32>, vector<1000x64xf32> -> vector<1000x128xf32>
    %mul3A_37 = vector.broadcast %div3A_31 : vector<1000x1xf32> to vector<1000x128xf32>
    %mul3A_38 = arith.mulf %concatenate3A_36, %mul3A_37 : vector<1000x128xf32>
    %get3A_39 = arith.constant 0 : index
    %get3A_40 = arith.constant 0 : index
    %get3A_41 = vector.load %arg1[%get3A_39, %get3A_40] : memref<1000x128xf32, #tpu.memory_space<vmem>>, vector<1000x128xf32>
    %get3A_42 = arith.constant 0 : index
    %get3A_43 = arith.constant 0 : index
    %get3A_44 = vector.load %arg8[%get3A_42, %get3A_43] : memref<128x128xf32, #tpu.memory_space<vmem>>, vector<128x128xf32>
    %dot_general3A = arith.constant dense<0.000000e+00> : vector<1000x128xf32>
    %dot_general3A_45 = tpu.matmul %get3A_41, %get3A_44, %dot_general3A {dimension_numbers = #tpu.dot_dimension_numbers<[1], [0], [0], [1], [0, 0, 1, 1], [], []>, transpose_lhs_hint = false} : vector<1000x128xf32>, vector<128x128xf32>, vector<1000x128xf32> -> vector<1000x128xf32>
    %get3A_46 = arith.constant 0 : index
    %get3A_47 = arith.constant 0 : index
    %get3A_48 = vector.load %arg9[%get3A_46, %get3A_47] : memref<1x128xf32, #tpu.memory_space<vmem>>, vector<1x128xf32>
    %add3A = vector.broadcast %get3A_48 : vector<1x128xf32> to vector<1000x128xf32>
    %add3A_49 = arith.addf %dot_general3A_45, %add3A : vector<1000x128xf32>
    %add3A_50 = arith.addf %add3A_49, %mul3A_33 : vector<1000x128xf32>
    %add3A_51 = arith.addf %add3A_50, %mul3A_38 : vector<1000x128xf32>
    %swap3A = arith.constant 0 : index
    %swap3A_52 = arith.constant 0 : index
    %swap3A_53 = vector.load %arg10[%swap3A, %swap3A_52] : memref<1000x128xf32, #tpu.memory_space<vmem>>, vector<1000x128xf32>
    tpu.vector_store %arg10[%swap3A, %swap3A_52], %add3A_51 {strides = array<i32>} : memref<1000x128xf32, #tpu.memory_space<vmem>>, vector<1000x128xf32>,
    return
  }
  func.func @transform_0(%arg0: i32) -> (i32, i32) {
    %c0_i32 = arith.constant 0 : i32
    %c0_i32_0 = arith.constant 0 : i32
    return %arg0, %c0_i32 : i32, i32
  }
  func.func @transform_1(%arg0: i32) -> (i32, i32, i32) {
    %c0_i32 = arith.constant 0 : i32
    %c0_i32_0 = arith.constant 0 : i32
    %c0_i32_1 = arith.constant 0 : i32
    return %c0_i32, %arg0, %c0_i32_0 : i32, i32, i32
  }
  func.func @transform_2(%arg0: i32) -> (i32, i32, i32) {
    %c1_i32 = arith.constant 1 : i32
    %c0_i32 = arith.constant 0 : i32
    %c0_i32_0 = arith.constant 0 : i32
    return %c1_i32, %arg0, %c0_i32 : i32, i32, i32
  }
  func.func @transform_3(%arg0: i32) -> (i32, i32, i32) {
    %add3A = arith.constant 10 : i32
    %add3A_0 = arith.addi %add3A, %arg0 : i32
    %c0_i32 = arith.constant 0 : i32
    %c0_i32_1 = arith.constant 0 : i32
    %c0_i32_2 = arith.constant 0 : i32
    return %c0_i32, %add3A_0, %c0_i32_1 : i32, i32, i32
  }
  func.func @transform_4(%arg0: i32) -> (i32, i32, i32) {
    %add3A = arith.constant 10 : i32
    %add3A_0 = arith.addi %add3A, %arg0 : i32
    %c1_i32 = arith.constant 1 : i32
    %c0_i32 = arith.constant 0 : i32
    %c0_i32_1 = arith.constant 0 : i32
    return %c1_i32, %add3A_0, %c0_i32 : i32, i32, i32
  }
  func.func @transform_5(%arg0: i32) -> (i32, i32) {
    %c0_i32 = arith.constant 0 : i32
    %c0_i32_0 = arith.constant 0 : i32
    return %arg0, %c0_i32 : i32, i32
  }
  func.func @transform_6(%arg0: i32) -> (i32, i32) {
    %add3A = arith.constant 10 : i32
    %add3A_0 = arith.addi %add3A, %arg0 : i32
    %c0_i32 = arith.constant 0 : i32
    %c0_i32_1 = arith.constant 0 : i32
    return %add3A_0, %c0_i32 : i32, i32
  }
  func.func @transform_7(%arg0: i32) -> (i32, i32) {
    %c0_i32 = arith.constant 0 : i32
    %c0_i32_0 = arith.constant 0 : i32
    %c0_i32_1 = arith.constant 0 : i32
    return %c0_i32, %c0_i32_0 : i32, i32
  }
  func.func @transform_8(%arg0: i32) -> (i32, i32) {
    %c0_i32 = arith.constant 0 : i32
    %c0_i32_0 = arith.constant 0 : i32
    %c0_i32_1 = arith.constant 0 : i32
    return %c0_i32, %c0_i32_0 : i32, i32
  }
  func.func @transform_9(%arg0: i32) -> (i32, i32) {
    %c0_i32 = arith.constant 0 : i32
    %c0_i32_0 = arith.constant 0 : i32
    return %arg0, %c0_i32 : i32, i32
  }
}

module attributes {stable_mosaic.version = 14 : i64} {
  func.func @_head_body(%arg0: i32, %arg1: memref<1000x128xf32, #tpu.memory_space<vmem>>, %arg2: memref<1x1000x64xf32, #tpu.memory_space<vmem>>, %arg3: memref<1x1000x64xf32, #tpu.memory_space<vmem>>, %arg4: memref<1x1000x64xf32, #tpu.memory_space<vmem>>, %arg5: memref<1x1000x64xf32, #tpu.memory_space<vmem>>, %arg6: memref<1000x8xf32, #tpu.memory_space<vmem>>, %arg7: memref<1000x8xf32, #tpu.memory_space<vmem>>, %arg8: memref<128x128xf32, #tpu.memory_space<vmem>>, %arg9: memref<1x128xf32, #tpu.memory_space<vmem>>, %arg10: memref<128x128xf32, #tpu.memory_space<vmem>>, %arg11: memref<1x128xf32, #tpu.memory_space<vmem>>, %arg12: memref<128x128xf32, #tpu.memory_space<vmem>>, %arg13: memref<1x128xf32, #tpu.memory_space<vmem>>, %arg14: memref<1000x128xf32, #tpu.memory_space<vmem>>) attributes {dimension_semantics = [#tpu.dimension_semantics<arbitrary>], iteration_bounds = array<i64: 10>, scalar_prefetch = 0 : i64, scratch_operands = 0 : i64, tpu.core_type = #tpu.core_type<tc>, window_params = [{transform_indices = @transform_0, window_bounds = array<i64: 1000, 128>}, {transform_indices = @transform_1, window_bounds = array<i64: 1, 1000, 64>}, {transform_indices = @transform_2, window_bounds = array<i64: 1, 1000, 64>}, {transform_indices = @transform_3, window_bounds = array<i64: 1, 1000, 64>}, {transform_indices = @transform_4, window_bounds = array<i64: 1, 1000, 64>}, {transform_indices = @transform_5, window_bounds = array<i64: 1000, 8>}, {transform_indices = @transform_6, window_bounds = array<i64: 1000, 8>}, {pipeline_mode = #tpu.pipeline_mode<synchronous>, transform_indices = @transform_7, window_bounds = array<i64: 128, 128>}, {pipeline_mode = #tpu.pipeline_mode<synchronous>, transform_indices = @transform_8, window_bounds = array<i64: 1, 128>}, {pipeline_mode = #tpu.pipeline_mode<synchronous>, transform_indices = @transform_9, window_bounds = array<i64: 128, 128>}, {pipeline_mode = #tpu.pipeline_mode<synchronous>, transform_indices = @transform_10, window_bounds = array<i64: 1, 128>}, {pipeline_mode = #tpu.pipeline_mode<synchronous>, transform_indices = @transform_11, window_bounds = array<i64: 128, 128>}, {pipeline_mode = #tpu.pipeline_mode<synchronous>, transform_indices = @transform_12, window_bounds = array<i64: 1, 128>}, {transform_indices = @transform_13, window_bounds = array<i64: 1000, 128>}]} {
    %get3A = arith.constant 0 : index
    %get3A_0 = arith.constant 0 : index
    %get3A_1 = arith.constant 0 : index
    %get3A_2 = vector.load %arg2[%get3A, %get3A_0, %get3A_1] : memref<1x1000x64xf32, #tpu.memory_space<vmem>>, vector<1x1000x64xf32>
    %get3A_3 = arith.constant 0 : index
    %get3A_4 = arith.constant 0 : index
    %get3A_5 = arith.constant 0 : index
    %get3A_6 = vector.load %arg3[%get3A_3, %get3A_4, %get3A_5] : memref<1x1000x64xf32, #tpu.memory_space<vmem>>, vector<1x1000x64xf32>
    %get3A_7 = arith.constant 0 : index
    %get3A_8 = arith.constant 0 : index
    %get3A_9 = arith.constant 0 : index
    %get3A_10 = vector.load %arg4[%get3A_7, %get3A_8, %get3A_9] : memref<1x1000x64xf32, #tpu.memory_space<vmem>>, vector<1x1000x64xf32>
    %get3A_11 = arith.constant 0 : index
    %get3A_12 = arith.constant 0 : index
    %get3A_13 = arith.constant 0 : index
    %get3A_14 = vector.load %arg5[%get3A_11, %get3A_12, %get3A_13] : memref<1x1000x64xf32, #tpu.memory_space<vmem>>, vector<1x1000x64xf32>
    %get3A_15 = arith.constant 0 : index
    %get3A_16 = arith.constant 0 : index
    %get3A_17 = vector.load %arg6[%get3A_15, %get3A_16] : memref<1000x8xf32, #tpu.memory_space<vmem>>, vector<1000x8xf32>
    %get3A_18 = arith.constant 0 : index
    %get3A_19 = arith.constant 0 : index
    %get3A_20 = vector.load %arg7[%get3A_18, %get3A_19] : memref<1000x8xf32, #tpu.memory_space<vmem>>, vector<1000x8xf32>
    %slice3A = vector.extract_strided_slice %get3A_17 {offsets = [0, 0], sizes = [1000, 1], strides = [1, 1]} : vector<1000x8xf32> to vector<1000x1xf32>
    %max3A = arith.constant 1.000000e+00 : f32
    %max3A_21 = vector.broadcast %max3A : f32 to vector<1000x1xf32>
    %max3A_22 = arith.maximumf %slice3A, %max3A_21 : vector<1000x1xf32>
    %div3A = arith.constant 1.000000e+00 : f32
    %div3A_23 = vector.broadcast %div3A : f32 to vector<1000x1xf32>
    %div3A_24 = arith.divf %div3A_23, %max3A_22 : vector<1000x1xf32>
    %slice3A_25 = vector.extract_strided_slice %get3A_20 {offsets = [0, 0], sizes = [1000, 1], strides = [1, 1]} : vector<1000x8xf32> to vector<1000x1xf32>
    %max3A_26 = arith.constant 1.000000e+00 : f32
    %max3A_27 = vector.broadcast %max3A_26 : f32 to vector<1000x1xf32>
    %max3A_28 = arith.maximumf %slice3A_25, %max3A_27 : vector<1000x1xf32>
    %div3A_29 = arith.constant 1.000000e+00 : f32
    %div3A_30 = vector.broadcast %div3A_29 : f32 to vector<1000x1xf32>
    %div3A_31 = arith.divf %div3A_30, %max3A_28 : vector<1000x1xf32>
    %squeeze3A = vector.shape_cast %get3A_2 : vector<1x1000x64xf32> to vector<1000x64xf32>
    %squeeze3A_32 = vector.shape_cast %get3A_6 : vector<1x1000x64xf32> to vector<1000x64xf32>
    %concatenate3A = tpu.concatenate %squeeze3A, %squeeze3A_32 in 1 : vector<1000x64xf32>, vector<1000x64xf32> -> vector<1000x128xf32>
    %mul3A = vector.broadcast %div3A_24 : vector<1000x1xf32> to vector<1000x128xf32>
    %mul3A_33 = arith.mulf %concatenate3A, %mul3A : vector<1000x128xf32>
    %squeeze3A_34 = vector.shape_cast %get3A_10 : vector<1x1000x64xf32> to vector<1000x64xf32>
    %squeeze3A_35 = vector.shape_cast %get3A_14 : vector<1x1000x64xf32> to vector<1000x64xf32>
    %concatenate3A_36 = tpu.concatenate %squeeze3A_34, %squeeze3A_35 in 1 : vector<1000x64xf32>, vector<1000x64xf32> -> vector<1000x128xf32>
    %mul3A_37 = vector.broadcast %div3A_31 : vector<1000x1xf32> to vector<1000x128xf32>
    %mul3A_38 = arith.mulf %concatenate3A_36, %mul3A_37 : vector<1000x128xf32>
    %get3A_39 = arith.constant 0 : index
    %get3A_40 = arith.constant 0 : index
    %get3A_41 = vector.load %arg1[%get3A_39, %get3A_40] : memref<1000x128xf32, #tpu.memory_space<vmem>>, vector<1000x128xf32>
    %get3A_42 = arith.constant 0 : index
    %get3A_43 = arith.constant 0 : index
    %get3A_44 = vector.load %arg8[%get3A_42, %get3A_43] : memref<128x128xf32, #tpu.memory_space<vmem>>, vector<128x128xf32>
    %dot_general3A = arith.constant dense<0.000000e+00> : vector<1000x128xf32>
    %dot_general3A_45 = tpu.matmul %get3A_41, %get3A_44, %dot_general3A {dimension_numbers = #tpu.dot_dimension_numbers<[1], [0], [0], [1], [0, 0, 1, 1], [], []>, transpose_lhs_hint = false} : vector<1000x128xf32>, vector<128x128xf32>, vector<1000x128xf32> -> vector<1000x128xf32>
    %get3A_46 = arith.constant 0 : index
    %get3A_47 = arith.constant 0 : index
    %get3A_48 = vector.load %arg9[%get3A_46, %get3A_47] : memref<1x128xf32, #tpu.memory_space<vmem>>, vector<1x128xf32>
    %add3A = vector.broadcast %get3A_48 : vector<1x128xf32> to vector<1000x128xf32>
    %add3A_49 = arith.addf %dot_general3A_45, %add3A : vector<1000x128xf32>
    %add3A_50 = arith.addf %add3A_49, %mul3A_33 : vector<1000x128xf32>
    %add3A_51 = arith.addf %add3A_50, %mul3A_38 : vector<1000x128xf32>
    %get3A_52 = arith.constant 0 : index
    %get3A_53 = arith.constant 0 : index
    %get3A_54 = vector.load %arg10[%get3A_52, %get3A_53] : memref<128x128xf32, #tpu.memory_space<vmem>>, vector<128x128xf32>
    %dot_general3A_55 = arith.constant dense<0.000000e+00> : vector<1000x128xf32>
    %dot_general3A_56 = tpu.matmul %add3A_51, %get3A_54, %dot_general3A_55 {dimension_numbers = #tpu.dot_dimension_numbers<[1], [0], [0], [1], [0, 0, 1, 1], [], []>, transpose_lhs_hint = false} : vector<1000x128xf32>, vector<128x128xf32>, vector<1000x128xf32> -> vector<1000x128xf32>
    %get3A_57 = arith.constant 0 : index
    %get3A_58 = arith.constant 0 : index
    %get3A_59 = vector.load %arg11[%get3A_57, %get3A_58] : memref<1x128xf32, #tpu.memory_space<vmem>>, vector<1x128xf32>
    %add3A_60 = vector.broadcast %get3A_59 : vector<1x128xf32> to vector<1000x128xf32>
    %add3A_61 = arith.addf %dot_general3A_56, %add3A_60 : vector<1000x128xf32>
    %ge3A = arith.constant 0.000000e+00 : f32
    %ge3A_62 = vector.broadcast %ge3A : f32 to vector<1000x128xf32>
    %ge3A_63 = arith.cmpf oge, %add3A_61, %ge3A_62 : vector<1000x128xf32>
    %mul3A_64 = arith.constant 0.00999999977 : f32
    %mul3A_65 = vector.broadcast %mul3A_64 : f32 to vector<1000x128xf32>
    %mul3A_66 = arith.mulf %mul3A_65, %add3A_61 : vector<1000x128xf32>
    %select_n3A = arith.select %ge3A_63, %add3A_61, %mul3A_66 : vector<1000x128xi1>, vector<1000x128xf32>
    %get3A_67 = arith.constant 0 : index
    %get3A_68 = arith.constant 0 : index
    %get3A_69 = vector.load %arg12[%get3A_67, %get3A_68] : memref<128x128xf32, #tpu.memory_space<vmem>>, vector<128x128xf32>
    %dot_general3A_70 = arith.constant dense<0.000000e+00> : vector<1000x128xf32>
    %dot_general3A_71 = tpu.matmul %select_n3A, %get3A_69, %dot_general3A_70 {dimension_numbers = #tpu.dot_dimension_numbers<[1], [0], [0], [1], [0, 0, 1, 1], [], []>, transpose_lhs_hint = false} : vector<1000x128xf32>, vector<128x128xf32>, vector<1000x128xf32> -> vector<1000x128xf32>
    %get3A_72 = arith.constant 0 : index
    %get3A_73 = arith.constant 0 : index
    %get3A_74 = vector.load %arg13[%get3A_72, %get3A_73] : memref<1x128xf32, #tpu.memory_space<vmem>>, vector<1x128xf32>
    %add3A_75 = vector.broadcast %get3A_74 : vector<1x128xf32> to vector<1000x128xf32>
    %add3A_76 = arith.addf %dot_general3A_71, %add3A_75 : vector<1000x128xf32>
    %swap3A = arith.constant 0 : index
    %swap3A_77 = arith.constant 0 : index
    %swap3A_78 = vector.load %arg14[%swap3A, %swap3A_77] : memref<1000x128xf32, #tpu.memory_space<vmem>>, vector<1000x128xf32>
    tpu.vector_store %arg14[%swap3A, %swap3A_77], %add3A_76 {strides = array<i32>} : memref<1000x128xf32, #tpu.memory_space<vmem>>, vector<1000x128xf32>,
    return
  }
  func.func @transform_0(%arg0: i32) -> (i32, i32) {
    %c0_i32 = arith.constant 0 : i32
    %c0_i32_0 = arith.constant 0 : i32
    return %arg0, %c0_i32 : i32, i32
  }
  func.func @transform_1(%arg0: i32) -> (i32, i32, i32) {
    %c0_i32 = arith.constant 0 : i32
    %c0_i32_0 = arith.constant 0 : i32
    %c0_i32_1 = arith.constant 0 : i32
    return %c0_i32, %arg0, %c0_i32_0 : i32, i32, i32
  }
  func.func @transform_2(%arg0: i32) -> (i32, i32, i32) {
    %c1_i32 = arith.constant 1 : i32
    %c0_i32 = arith.constant 0 : i32
    %c0_i32_0 = arith.constant 0 : i32
    return %c1_i32, %arg0, %c0_i32 : i32, i32, i32
  }
  func.func @transform_3(%arg0: i32) -> (i32, i32, i32) {
    %add3A = arith.constant 10 : i32
    %add3A_0 = arith.addi %add3A, %arg0 : i32
    %c0_i32 = arith.constant 0 : i32
    %c0_i32_1 = arith.constant 0 : i32
    %c0_i32_2 = arith.constant 0 : i32
    return %c0_i32, %add3A_0, %c0_i32_1 : i32, i32, i32
  }
  func.func @transform_4(%arg0: i32) -> (i32, i32, i32) {
    %add3A = arith.constant 10 : i32
    %add3A_0 = arith.addi %add3A, %arg0 : i32
    %c1_i32 = arith.constant 1 : i32
    %c0_i32 = arith.constant 0 : i32
    %c0_i32_1 = arith.constant 0 : i32
    return %c1_i32, %add3A_0, %c0_i32 : i32, i32, i32
  }
  func.func @transform_5(%arg0: i32) -> (i32, i32) {
    %c0_i32 = arith.constant 0 : i32
    %c0_i32_0 = arith.constant 0 : i32
    return %arg0, %c0_i32 : i32, i32
  }
  func.func @transform_6(%arg0: i32) -> (i32, i32) {
    %add3A = arith.constant 10 : i32
    %add3A_0 = arith.addi %add3A, %arg0 : i32
    %c0_i32 = arith.constant 0 : i32
    %c0_i32_1 = arith.constant 0 : i32
    return %add3A_0, %c0_i32 : i32, i32
  }
  func.func @transform_7(%arg0: i32) -> (i32, i32) {
    %c0_i32 = arith.constant 0 : i32
    %c0_i32_0 = arith.constant 0 : i32
    %c0_i32_1 = arith.constant 0 : i32
    return %c0_i32, %c0_i32_0 : i32, i32
  }
  func.func @transform_8(%arg0: i32) -> (i32, i32) {
    %c0_i32 = arith.constant 0 : i32
    %c0_i32_0 = arith.constant 0 : i32
    %c0_i32_1 = arith.constant 0 : i32
    return %c0_i32, %c0_i32_0 : i32, i32
  }
  func.func @transform_9(%arg0: i32) -> (i32, i32) {
    %c0_i32 = arith.constant 0 : i32
    %c0_i32_0 = arith.constant 0 : i32
    %c0_i32_1 = arith.constant 0 : i32
    return %c0_i32, %c0_i32_0 : i32, i32
  }
  func.func @transform_10(%arg0: i32) -> (i32, i32) {
    %c0_i32 = arith.constant 0 : i32
    %c0_i32_0 = arith.constant 0 : i32
    %c0_i32_1 = arith.constant 0 : i32
    return %c0_i32, %c0_i32_0 : i32, i32
  }
  func.func @transform_11(%arg0: i32) -> (i32, i32) {
    %c0_i32 = arith.constant 0 : i32
    %c0_i32_0 = arith.constant 0 : i32
    %c0_i32_1 = arith.constant 0 : i32
    return %c0_i32, %c0_i32_0 : i32, i32
  }
  func.func @transform_12(%arg0: i32) -> (i32, i32) {
    %c0_i32 = arith.constant 0 : i32
    %c0_i32_0 = arith.constant 0 : i32
    %c0_i32_1 = arith.constant 0 : i32
    return %c0_i32, %c0_i32_0 : i32, i32
  }
  func.func @transform_13(%arg0: i32) -> (i32, i32) {
    %c0_i32 = arith.constant 0 : i32
    %c0_i32_0 = arith.constant 0 : i32
    return %arg0, %c0_i32 : i32, i32
  }
}

</mosaic_0001>

<sc_bundles>
// kernel: kernel.10.cloned.1.call-start
scs
__scs_entry_jumppad:
0x0: {  	(pc) =	sbr.rel $0x88, $3  }
0x1: {  	(tag) =	ssettag $0x0;
	lr =	simm.s32 $0x1  }
0x2: {  	[smem:$0x3F8A] =	sst lr;
	_ =	strace $0xD0000000  }
0x3: {  	_ = 	snop  }
0x4: {  	_ = 	snop  }
0x5: {  	_ = 	snop  }
0x6: {  	_ = 	snop  }
0x7: {  	_ = 	snop  }
__scs_overlays_trampoline_lowered:
0x8: {  	[smem:$0x3F99] =	sst s0  }
0x9: {  	[smem:$0x3F9A] =	sst s1  }
0xa: {  	[smem:$0x3F9B] =	sst s2  }
0xb: {  	[smem:$0x3F9C] =	sst s3  }
0xc: {  	[smem:$0x3F9D] =	sst s4  }
0xd: {  	[smem:$0x3F9E] =	sst s5  }
0xe: {  	[smem:$0x3F9F] =	sst s6  }
0xf: {  	[smem:$0x3FA0] =	sst s7  }
0x10: {  	[smem:$0x3FA1] =	sst s8  }
0x11: {  	[smem:$0x3FA2] =	sst s9;
	s0 =	simm.s32 @!p0 $0x0  }
0x12: {  	s1 =	sld [smem:$0x3F88];
	s0 =	simm.s32 @p0 $0x1  }
0x13: {  	[smem:$0x3FA3] =	sst s0;
	s0 =	simm.s32 @!p1 $0x0  }
0x14: {  	s2 =	sld [smem:$0x3F87];
	s0 =	simm.s32 @p1 $0x1  }
0x15: {  	[smem:$0x3FA4] =	sst s0;
	s0 =	simm.s32 @!p2 $0x0  }
0x16: {  	s3 =	sld [smem:$0x3FDB];
	s0 =	simm.s32 @p2 $0x1  }
0x17: {  	s4 =	simm.s32 $0x1BF5;
	[smem:$0x3FA6] =	sst s0  }
0x18: {  	s0 =	sld [smem:$0x3F89];
	_ =	swait.ge [sflag:s4], $0x0  }
0x19: {  	s7 =	sld [smem:$0x3F8A]  }
0x1a: {  	s8 =	sadd.s32 $0xFFFFE003, lr  }
0x1b: {  	s9 =	sadd.s32 $0xFFFFFEF7, lr;
	s5 =	simm.s32 $0xFFFFFFFF;
	p2 =	slt.u32 s8, $0xFFFFF086  }
0x1c: {  	p1 =	slt.u32 s9, $0xF7A;
	s5 =	simm.s32 @!p2 $0x0  }
0x1d: {  	s5 =	simm.s32 @p1 $0x1;
	p0 =	seq.s32 s7, s2  }
0x1e: {  	s7 =	smul.u32 @!p0 $0xF7A, s2;
	p2 =	seq.s32 @!p0 s5, $0x0  }
0x1f: {  	s9 =	smul.u32 $0xF7A, s1;
	s8 =	simm.s32 @!p0 $0x1BF5;
	p2 =	por !p2, p0  }
0x20: {  	[sflag:s8] =	ssyncset.s32 @!p0 $0xFFFFF086;
	s6 =	sadd.s32 @!p0 s3, s7;
	s7 =	simm.s32 @!p0 $0x108  }
0x21: {  	s3 =	sadd.s32 s3, s9;
	s6 =	sadd.s32 @!p0 $0x88, s6;
	s7 =	simm.s32 @p2 $0x1082  }
0x22: {  	[simem:s7], [sflag:s8] =	dma.local @!p0 [hbm:s6], $0xF7A  }
0x23: {  	s9 =	sor.u32 $0xD0000000, s2;
	s6 =	simm.s32 $0x108;
	_ =	swait.ge @!p0 [sflag:s8], $0x0  }
0x24: {  	s3 =	sadd.s32 $0x88, s3;
	s6 =	simm.s32 @!p1 $0x1082;
	[sflag:s4] =	ssyncset.s32 $0xFFFFF086  }
0x25: {  	[simem:s6], [sflag:s4] =	dma.local [hbm:s3], $0xF7A  }
0x26: {  	[smem:$0x3F8A] =	sst s1;
	(tag) =	ssettag s2;
	_ =	strace s9  }
0x27: {  	s1 =	sld [smem:$0x3F9A]  }
0x28: {  	s2 =	sld [smem:$0x3F9B]  }
0x29: {  	s4 =	sld [smem:$0x3F9D]  }
0x2a: {  	p0 =	seq.s32 s5, $0x0;
	s5 =	sld [smem:$0x3F9E]  }
0x2b: {  	s6 =	sld [smem:$0x3F9F]  }
0x2c: {  	s7 =	sld [smem:$0x3FA0]  }
0x2d: {  	s3 =	simm.s32 $0x108;
	s8 =	sld [smem:$0x3FA1]  }
0x2e: {  	s3 =	simm.s32 @!p0 $0x1082;
	s9 =	sld [smem:$0x3FA2]  }
0x2f: {  	lr =	sadd.s32 s0, s3;
	s0 =	sld [smem:$0x3F99]  }
0x30: {  	s3 =	sld [smem:$0x3F9C]  }
0x31: {  	[smem:$0x3FA5] =	sst s10  }
0x32: {  	s10 =	sld [smem:$0x3FA3];
	_ =	sdelay $0x3  }
0x33: {  	p0 =	seq.s32 s10, $0x1;
	s10 =	sld [smem:$0x3FA5];
	_ =	sdelay $0x3  }
0x34: {  	[smem:$0x3FA5] =	sst s10  }
0x35: {  	s10 =	sld [smem:$0x3FA4];
	_ =	sdelay $0x3  }
0x36: {  	p1 =	seq.s32 s10, $0x1;
	s10 =	sld [smem:$0x3FA5];
	_ =	sdelay $0x3  }
0x37: {  	[smem:$0x3FA5] =	sst s10  }
0x38: {  	s10 =	sld [smem:$0x3FA6]  }
0x39: {  	_ = 	snop;
	(pc) =	sbr.ind lr, $3  }
0x3a: {  	_ = 	snop  }
0x3b: {  	_ = 	snop  }
0x3c: {  	p2 =	seq.s32 s10, $0x1;
	s10 =	sld [smem:$0x3FA5]  }
0x3d: {  	_ =	shalt  }
0x3e: {  	_ =	shalt  }
0x3f: {  	_ =	shalt  }
0x40: {  	_ =	shalt  }
0x41: {  	_ =	shalt  }
0x42: {  	_ =	shalt  }
0x43: {  	_ =	shalt  }
0x44: {  	_ =	shalt  }
0x45: {  	_ =	shalt  }
0x46: {  	_ =	shalt  }
0x47: {  	_ =	shalt  }
0x48: {  	_ =	shalt  }
0x49: {  	_ =	shalt  }
0x4a: {  	_ =	shalt  }
0x4b: {  	_ =	shalt  }
0x4c: {  	_ =	shalt  }
0x4d: {  	_ =	shalt  }
0x4e: {  	_ =	shalt  }
0x4f: {  	_ =	shalt  }
0x50: {  	_ =	shalt  }
0x51: {  	_ =	shalt  }
0x52: {  	_ =	shalt  }
0x53: {  	_ =	shalt  }
0x54: {  	_ =	shalt  }
0x55: {  	_ =	shalt  }
0x56: {  	_ =	shalt  }
0x57: {  	_ =	shalt  }
0x58: {  	_ =	shalt  }
0x59: {  	_ =	shalt  }
0x5a: {  	_ =	shalt  }
0x5b: {  	_ =	shalt  }
0x5c: {  	_ =	shalt  }
0x5d: {  	_ =	shalt  }
0x5e: {  	_ =	shalt  }
0x5f: {  	_ =	shalt  }
0x60: {  	_ =	shalt  }
0x61: {  	_ =	shalt  }
0x62: {  	_ =	shalt  }
0x63: {  	_ =	shalt  }
0x64: {  	_ =	shalt  }
0x65: {  	_ =	shalt  }
0x66: {  	_ =	shalt  }
0x67: {  	_ =	shalt  }
0x68: {  	_ =	shalt  }
0x69: {  	_ =	shalt  }
0x6a: {  	_ =	shalt  }
0x6b: {  	_ =	shalt  }
0x6c: {  	_ =	shalt  }
0x6d: {  	_ =	shalt  }
0x6e: {  	_ =	shalt  }
0x6f: {  	_ =	shalt  }
0x70: {  	_ =	shalt  }
0x71: {  	_ =	shalt  }
0x72: {  	_ =	shalt  }
0x73: {  	_ =	shalt  }
0x74: {  	_ =	shalt  }
0x75: {  	_ =	shalt  }
0x76: {  	_ =	shalt  }
0x77: {  	_ =	shalt  }
0x78: {  	_ =	shalt  }
0x79: {  	_ =	shalt  }
0x7a: {  	_ =	shalt  }
0x7b: {  	_ =	shalt  }
0x7c: {  	_ =	shalt  }
0x7d: {  	_ =	shalt  }
0x7e: {  	_ =	shalt  }
0x7f: {  	_ =	shalt  }
0x80: {  	_ =	shalt  }
0x81: {  	_ =	shalt  }
0x82: {  	_ =	shalt  }
0x83: {  	_ =	shalt  }
0x84: {  	_ =	shalt  }
0x85: {  	_ =	shalt  }
0x86: {  	_ =	shalt  }
0x87: {  	_ =	shalt  }
.Lfunc_end0:
.L_simem_size_0:
called_computation_lowered:
.L_overlay_start_0:
0x88: {  	s2 =	sld [smem:$0x3FD9]  }
0x89: {  	s3 =	sld [smem:$0x3FFE];
	_ =	sdelay $0x1  }
0x8a: {  	s1 =	srdreg.scid  }
0x8b: {  	s0 =	sand.u32 $0x1, s1  }
0x8c: {  	s17 =	sshll.u32 s0, $0xA;
	s2 =	sadd.s32 s3, s2  }
0x8d: {  	s2 =	sadd.s32 s2, s17  }
0x8e: {  	[smem:$0x3FB1] =	sst s2  }
0x8f: {  	_ = 	snop  }
0x90: {  	s2 =	sld [smem:$0x3FD0];
	(tm) =	ssettm $0x1  }
0x91: {  	s18 =	sld [smem:$0x3FFB];
	_ =	sdelay $0x3  }
0x92: {  	_ =	strace s18  }
0x93: {  	s3 =	sld [smem:$0x3FFC];
	_ =	sdelay $0x3  }
0x94: {  	_ =	strace s3  }
0x95: {  	s3 =	sld [smem:$0x3FFD];
	_ =	sdelay $0x3  }
0x96: {  	_ =	strace s3  }
0x97: {  	_ =	strace $0x8FFFFFFF  }
0x98: {  	s19 =	sld [smem:$0x3FDB];
	_ =	sdelay $0x1  }
0x99: {  	s4 =	simm.s32 $_scs_section_size  }
0x9a: {  	s5 =	simm.s32 $_size__tile_overlayer_lowered;
	s6 =	simm.s32 $_tile_overlayer_lowered  }
0x9b: {  	s22 =	simm.s32 $0x1BFF;
	s21 =	sshll.u32 s6, $0x1;
	s3 =	sadd.s32 s4, s19  }
0x9c: {  	s7 =	simm.s32 $0x0;
	s20 =	sshll.u32 s5, $0x1;
	s5 =	sadd.s32 s21, s3  }
0x9d: {  	[timem:s7], [sflag:s22] =	dma.local [hbm:s5], s20  }
0x9e: {  	_ =	swait.ge [sflag:s22], s20  }
0x9f: {  	s4 =	ssub.s32 $0x0, s20;
	[sflag:s22] =	ssyncset.done $0x0  }
0xa0: {  	[sflag:s22] =	ssyncadd.s32 s4;
	_ =	sdelay $0x1  }
0xa1: {  	s23 =	simm.s32 $0x1B8B  }
0xa2: {  	_ =	swait.ge [sflag:s23], $0x1  }
0xa3: {  	[sflag:s23] =	ssyncset.done $0x0  }
0xa4: {  	s25 =	simm.s32 $0x1B8E;
	s24 =	sld [smem:$0x3FFE];
	[sflag:s23] =	ssyncadd.s32 $0xFFFFFFFF  }
0xa5: {  	s26 =	simm.s32 $execute0_lowered;
	[smem:$0x3FD2] =	sst s25  }
0xa6: {  	s5 =	sshll.u32 s26, $0x1;
	_ =	strace $0x80000046;
	[dreg:$0x1] =	wrdreg $0xFFFFFFFF  }
0xa7: {  	s28 =	simm.s32 $_size_execute0_lowered;
	s3 =	sadd.s32 s3, s5;
	[dreg:$0x0] =	wrdreg $0x0  }
0xa8: {  	s5 =	sshll.u32 s28, $0x1;
	[dreg:$0x2] =	wrdreg s3  }
0xa9: {  	[dreg:$0x3] =	wrdreg s5  }
0xaa: {  	[dreg:$0x4] =	wrdreg $0xC0  }
0xab: {  	_ =	task [dreg:s7], $0x5FFFF  }
0xac: {  	[dreg:$0x1] =	wrdreg $0xFFFFFFFF  }
0xad: {  	[dreg:$0x0] =	wrdreg $0x60  }
0xae: {  	[dreg:$0x2] =	wrdreg s24  }
0xaf: {  	[dreg:$0x3] =	wrdreg s2  }
0xb0: {  	[dreg:$0x4] =	wrdreg $0x30000  }
0xb1: {  	[dreg:$0x5] =	wrdreg $0x16E000  }
0xb2: {  	[dreg:$0x6] =	wrdreg $0x9  }
0xb3: {  	_ =	task.clear_ibuf [dreg:s7], $0x7FFFF;
	_ =	strace $0x90000046  }
0xb4: {  	s29 =	simm.s32 $0x9;
	_ =	strace $0x80000048  }
0xb5: {  	_ =	swait.ge [sflag:s29], $0x1  }
0xb6: {  	[sflag:s29] =	ssyncadd.s32 $0xFFFFFFFF  }
0xb7: {  	_ =	strace $0x90000048  }
0xb8: {  	_ =	sfence  }
0xb9: {  	s30 =	sld [smem:$0x0];
	_ =	sdelay $0x2  }
0xba: {  	s31 =	sshll.u32 s1, $0xD;
	s1 =	sshrl.u32 s1, $0x2  }
0xbb: {  	s3 =	sand.u32 $0x4000, s31;
	s1 =	sadd.s32 s1, s30  }
0xbc: {  	s0 =	sor.u32 s3, s0;
	s1 =	sshll.u32 s1, $0x11  }
0xbd: {  	s0 =	sor.u32 s1, s0  }
0xbe: {  	s0 =	sadd.s32 $0x8F2B, s0  }
0xbf: {  	[sflag:s0] =	ssyncadd.remote.s32 $0x1  }
0xc0: {  	_ =	sfence.sel $0xFFFF  }
0xc1: {  	[dreg:$0x0] =	wrdreg $0xFFFFFFFF;
	(pc) =	sbr.abs _section_cstart, $3  }
0xc2: {  	[dreg:$0x1] =	wrdreg $0xFFFFFFFF  }
0xc3: {  	_ =	task.clear_ibuf [dreg:s7], $0x2FFFF;
	_ =	strace $0x9FFFFFFF  }
0xc4: {  	(tm) =	ssettm $0x7FFFFFFF  }
0xc5: {  	_ =	shalt  }
tec
execute0_lowered:
.L_overlay_start_1:
0x0: {  	(tag) =	ssettag $0x1  }
0x1: {  	s0 =	rddreg [dreg:$0x0]  }
0x2: {  	s2 =	rddreg [dreg:$0x2]  }
0x3: {  	s3 =	rddreg [dreg:$0x3];
	s4 =	simm.s32 $0x0  }
0x4: {  	s1 =	srdreg.scid;
	s31 =	stileid.u32;
	s20 =	simm.s32 $0x16A00  }
0x5: {  	s21 =	simm.s32 $0x800;
	s22 =	simm.s32 $0x80;
	s23 =	simm.s32 $0x1000  }
0x6: {  	s25 =	simm.s32 $0x1;
	s26 =	simm.s32 $0x3;
	s28 =	simm.s32 $0x0  }
0x7: {  	[smem:$0x7FF] =	sst s4;
	s1 =	sand.u32 $0x1, s1;
	s6 =	sadd.s32 $0x2B200, s0  }
0x8: {  	s7 =	sadd.s32 $0x83400, s0;
	s13 =	smul.u32 $0x2740, s31;
	s8 =	sadd.s32 $0x79400, s0  }
0x9: {  	s9 =	sadd.s32 $0x97400, s0;
	s10 =	sadd.s32 $0x99C00, s0;
	s15 =	smul.u32 $0x13A00, s31  }
0xa: {  	s17 =	sshll.u32 s31, $0x6;
	_ =	strace $0x80000047;
	s5 =	smul.u32 $0x27400, s1  }
0xb: {  	s12 =	ssub.s32 $0x2, s1;
	s14 =	smul.u32 $0x50000, s1;
	p0 =	sne.s32 s1, $0x0  }
0xc: {  	s11 =	sshrl.u32 s13, $0x3;
	s16 =	sshrl.u32 s12, $0x1;
	s18 =	sadd.s32 s15, s2  }
0xd: {  	s13 =	sadd.s32 s13, s3;
	s24 =	sshrl.u32 s15, $0x3;
	s5 =	sadd.s32 s5, s0  }
0xe: {  	s0 =	sadd.s32 s11, s0;
	s11 =	smul.u32 $0x5000, s31;
	s16 =	ssub.s32 s12, s16  }
0xf: {  	s12 =	sor.u32 $0x1C02, s17;
	s17 =	sshrl.u32 s18, $0x3;
	s18 =	simm.s32 $0x2  }
0x10: {  	s19 =	sshrl.u32 s13, $0x3;
	s5 =	sadd.s32 $0x99E00, s5;
	s15 =	sadd.s32 $0xE8600, s0  }
0x11: {  	s16 =	smax.u32 s16, $0x1;
	s14 =	sadd.s32 s14, s11;
	s24 =	sadd.s32 s24, s5  }
.LBB2_1:
0x12: {  	[spmem:s17], [sflag:s12] =	dma.local [hbm:s9], $0x2740  }
0x13: {  	_ =	swait.ge [sflag:s18], $0x2740  }
0x14: {  	[sflag:s18] =	ssyncset.done $0x0  }
0x15: {  	[sflag:s18] =	ssyncadd.s32 $0xFFFFD8C0  }
0x16: {  	s0 =	rddreg [dreg:$0x1]  }
0x17: {  	[spmem:s19], [sflag:s12] =	dma.local [hbm:s0], $0x4E8  }
0x18: {  	_ =	swait.ge [sflag:s18], $0x4E8  }
0x19: {  	[sflag:s18] =	ssyncset.done $0x0  }
0x1a: {  	s31 =	simm.s32 $0x0;
	[sflag:s18] =	ssyncadd.s32 $0xFFFFFB18  }
0x1b: {  	[tilespmem:s20], [sflag:$0x2] =	stream.linear.gather [hbm4b:s10+s31], $0x400, $0x38;
	[tilespmem:$0x19540] =	vst v63  }
0x1c: {  	_ =	swait.ge [sflag:s18], $0x400  }
0x1d: {  	[sflag:s18] =	ssyncset.done $0x0  }
0x1e: {  	[sflag:s18] =	ssyncadd.s32 $0xFFFFFC00  }
0x1f: {  	s29 =	simm.s32 $0x0;
	[bflag:$0x0] =	sbarrier.arrive $0xFFFF  }
.LBB2_2:
0x20: {  	s0 =	sshll.u32 s29, $0xB  }
0x21: {  	s1 =	sadd.s32 s14, s0  }
0x22: {  	s1 =	sshrl.u32 s1, $0x3  }
0x23: {  	s5 =	simm.s32 $0x0;
	s1 =	sadd.s32 s7, s1  }
0x24: {  	[tilespmem:s5], [sflag:$0x2] =	stream.linear.gather [hbm4b:s1+s5], $0x800, $0x38;
	[tilespmem:$0x19540] =	vst v63  }
0x25: {  	s0 =	sadd.s32 s11, s0;
	_ =	swait.ge [sflag:s18], $0x800  }
0x26: {  	s0 =	sshrl.u32 s0, $0x3;
	[sflag:s18] =	ssyncset.done $0x0  }
0x27: {  	s0 =	sadd.s32 s8, s0;
	[sflag:s18] =	ssyncadd.s32 $0xFFFFF800  }
0x28: {  	[tilespmem:s21], [sflag:$0x2] =	stream.linear.gather [hbm4b:s0+s5], $0x800, $0x38;
	[tilespmem:$0x19540] =	vst v63  }
0x29: {  	_ =	swait.ge [sflag:s18], $0x800  }
0x2a: {  	[sflag:s18] =	ssyncset.done $0x0  }
0x2b: {  	s5 =	simm.s32 $0x0;
	[sflag:s18] =	ssyncadd.s32 $0xFFFFF800  }
0x2c: {  	[tilespmem:s23], [sflag:$0x1] =	stream.indirect.gather [hbm4b:s6+s22], $0x40, s5, s22, $0xb8;
	[tilespmem:$0x19540] =	vst v63  }
0x2d: {  	_ =	swait.ge [sflag:s25], $0x2000  }
0x2e: {  	[sflag:s25] =	ssyncset.done $0x0  }
0x2f: {  	s1 =	simm.s32 $0x800;
	[sflag:s25] =	ssyncadd.s32 $0xFFFFE000  }
0x30: {  	[spmem:s2] =	stream.indirect.scatter.add.f32 [tilespmem:s23], [sflag:$0x3], $0x40, s1, s22, $0xb8;
	[tilespmem:$0x19540] =	vst v63  }
0x31: {  	_ =	swait.ge [sflag:s26], $0x2000  }
0x32: {  	s30 =	simm.s32 @!p0 $0x2;
	[sflag:s26] =	ssyncset.done $0x0  }
0x33: {  	s31 =	simm.s32 @!p0 $0x80;
	s0 =	simm.s32 @!p0 $0x16A00;
	[sflag:s26] =	ssyncadd.s32 $0xFFFFE000  }
0x34: {  	[spmem:s3] =	stream.indirect.scatter.add.f32 @!p0 [tilespmem:s0], [sflag:$0x2], $0x8, s1, s31, $0xb8;
	[tilespmem:$0x19540] =	vst v63  }
0x35: {  	_ =	swait.ge @!p0 [sflag:s30], $0x400  }
0x36: {  	s5 =	simm.s32 $0x200;
	s1 =	simm.s32 $0x400;
	[sflag:s30] =	ssyncset.done @!p0 $0x0  }
.LBB2_3:
0x37: {  	s4 =	sshra.s32 s5, $0x2  }
0x38: {  	[sflag:s30] =	ssyncadd.s32 @!p0 $0xFFFFFC00;
	s5 =	smov.u32 s1;
	s1 =	sadd.s32 $0x200, s1  }
0x39: {  	[tilespmem:s23], [sflag:$0x1] =	stream.indirect.gather [hbm4b:s6+s22], $0x40, s4, s22, $0xb8;
	[tilespmem:$0x19540] =	vst v63  }
0x3a: {  	p1 =	sne.s32 s1, $0x2000;
	_ =	swait.ge [sflag:s25], $0x2000  }
0x3b: {  	[sflag:s25] =	ssyncset.done $0x0  }
0x3c: {  	s4 =	sadd.s32 $0x800, s4;
	[sflag:s25] =	ssyncadd.s32 $0xFFFFE000  }
0x3d: {  	[spmem:s2] =	stream.indirect.scatter.add.f32 [tilespmem:s23], [sflag:$0x3], $0x40, s4, s22, $0xb8;
	[tilespmem:$0x19540] =	vst v63  }
0x3e: {  	_ =	swait.ge [sflag:s26], $0x2000  }
.Ltmp0:
0x3f: {  	[sflag:s26] =	ssyncset.done $0x0;
	(pc) =	sbr.rel @p1 .LBB2_3-.Ltmp0, $4  }
0x40: {  	[sflag:s26] =	ssyncadd.s32 $0xFFFFE000  }
0x41: {  	[spmem:s3] =	stream.indirect.scatter.add.f32 @!p0 [tilespmem:s0], [sflag:$0x2], $0x8, s4, s31, $0xb8;
	[tilespmem:$0x19540] =	vst v63  }
0x42: {  	_ =	swait.ge @!p0 [sflag:s30], $0x400  }
0x43: {  	[sflag:s30] =	ssyncset.done @!p0 $0x0  }
0x44: {  	s0 =	sshra.s32 s5, $0x2;
	[sflag:s30] =	ssyncadd.s32 @!p0 $0xFFFFFC00  }
0x45: {  	[tilespmem:s23], [sflag:$0x1] =	stream.indirect.gather [hbm4b:s6+s22], $0x40, s0, s22, $0xb8;
	[tilespmem:$0x19540] =	vst v63  }
0x46: {  	_ =	swait.ge [sflag:s25], $0x2000  }
0x47: {  	[sflag:s25] =	ssyncset.done $0x0  }
0x48: {  	s1 =	sadd.s32 $0x800, s0;
	[sflag:s25] =	ssyncadd.s32 $0xFFFFE000  }
0x49: {  	[spmem:s2] =	stream.indirect.scatter.add.f32 [tilespmem:s23], [sflag:$0x3], $0x40, s1, s22, $0xb8;
	[tilespmem:$0x19540] =	vst v63  }
0x4a: {  	s4 =	simm.s32 @!p0 $0x80;
	s29 =	sadd.s32 $0x1, s29;
	_ =	swait.ge [sflag:s26], $0x2000  }
0x4b: {  	s5 =	simm.s32 @!p0 $0x16A00;
	p1 =	sne.s32 s29, $0xA;
	[sflag:s26] =	ssyncset.done $0x0  }
.Ltmp1:
0x4c: {  	s0 =	simm.s32 @!p0 $0x2;
	[sflag:s26] =	ssyncadd.s32 $0xFFFFE000;
	(pc) =	sbr.rel @p1 .LBB2_2-.Ltmp1, $4  }
0x4d: {  	[spmem:s3] =	stream.indirect.scatter.add.f32 @!p0 [tilespmem:s5], [sflag:$0x2], $0x8, s1, s4, $0xb8;
	[tilespmem:$0x19540] =	vst v63  }
0x4e: {  	_ =	swait.ge @!p0 [sflag:s0], $0x400  }
0x4f: {  	[sflag:s0] =	ssyncset.done @!p0 $0x0  }
0x50: {  	[sflag:s0] =	ssyncadd.s32 @!p0 $0xFFFFFC00  }
0x51: {  	[bflag:$0x0] =	sbarrier.arrive $0xFFFF  }
0x52: {  	[hbm:s24], [sflag:s12] =	dma.local [spmem:s17], $0x2740  }
0x53: {  	s28 =	sadd.s32 $0x1, s28;
	_ =	swait.ge [sflag:s18], $0x2740  }
0x54: {  	p1 =	sne.s32 s28, s16;
	[sflag:s18] =	ssyncset.done $0x0  }
.Ltmp2:
0x55: {  	s1 =	sshrl.u32 @!p0 s13, $0x3;
	[sflag:s18] =	ssyncadd.s32 $0xFFFFD8C0;
	(pc) =	sbr.rel @p1 .LBB2_1-.Ltmp2, $4  }
0x56: {  	[hbm:s15], [sflag:s12] =	dma.local @!p0 [spmem:s1], $0x4E8  }
0x57: {  	_ =	swait.ge @!p0 [sflag:s0], $0x4E8  }
0x58: {  	[sflag:s0] =	ssyncset.done @!p0 $0x0  }
0x59: {  	[sflag:s0] =	ssyncadd.s32 @!p0 $0xFFFFFB18  }
0x5a: {  	_ =	sfence.sel $0x180000  }
0x5b: {  	[bflag:$0x0] =	sbarrier.arrive $0xFFFF  }
0x5c: {  	_ =	strace $0x90000047  }
0x5d: {  	s0 =	stileid.u32;
	[bflag:$0x2] =	sbarrier.arrive $0xFFFF  }
0x5e: {  	p0 =	sne.s32 s0, $0x0;
	s0 =	rddreg [dreg:$0x4]  }
0x5f: {  	s0 =	sadd.s32 @!p0 $0x100000, s0  }
0x60: {  	[sflag:s0] =	ssyncadd.tile.s32 @!p0 $0x1;
	_ =	shalt  }
.Lfunc_end2:
_tile_overlayer_lowered:
.L_overlay_start_2:
0x61: {  	(tag) =	ssettag $0x2  }
0x62: {  	s0 =	rddreg [dreg:$0x0];
	s2 =	stileid.u32  }
0x63: {  	s1 =	rddreg [dreg:$0x1];
	p0 =	sne.s32 s2, $0x0  }
0x64: {  	s3 =	rddreg [dreg:$0x2];
	[bflag:$0x3] =	sbarrier.arrive $0xFFFF;
	s2 =	simm.s32 @!p0 $0x1C02  }
0x65: {  	[timem:s3], [sflag:s2] =	dma.local @!p0 [hbm:s0], s1  }
0x66: {  	s0 =	simm.s32 @!p0 $0x2  }
0x67: {  	_ =	swait.ge @!p0 [sflag:s0], s1  }
0x68: {  	s1 =	ssub.s32 @!p0 $0x0, s1;
	[sflag:s0] =	ssyncset.done @!p0 $0x0  }
0x69: {  	[sflag:s0] =	ssyncadd.s32 @!p0 s1  }
0x6a: {  	[bflag:$0x3] =	sbarrier.arrive $0xFFFF  }
0x6b: {  	_ =	shalt  }

// kernel: kernel.13.cloned.1.call-start
scs
__scs_entry_jumppad:
0x0: {  	(pc) =	sbr.rel $0x88, $3  }
0x1: {  	(tag) =	ssettag $0x0;
	lr =	simm.s32 $0x1  }
0x2: {  	[smem:$0x3F8A] =	sst lr;
	_ =	strace $0xD0000000  }
0x3: {  	_ = 	snop  }
0x4: {  	_ = 	snop  }
0x5: {  	_ = 	snop  }
0x6: {  	_ = 	snop  }
0x7: {  	_ = 	snop  }
__scs_overlays_trampoline_lowered:
0x8: {  	[smem:$0x3F99] =	sst s0  }
0x9: {  	[smem:$0x3F9A] =	sst s1  }
0xa: {  	[smem:$0x3F9B] =	sst s2  }
0xb: {  	[smem:$0x3F9C] =	sst s3  }
0xc: {  	[smem:$0x3F9D] =	sst s4  }
0xd: {  	[smem:$0x3F9E] =	sst s5  }
0xe: {  	[smem:$0x3F9F] =	sst s6  }
0xf: {  	[smem:$0x3FA0] =	sst s7  }
0x10: {  	[smem:$0x3FA1] =	sst s8  }
0x11: {  	[smem:$0x3FA2] =	sst s9;
	s0 =	simm.s32 @!p0 $0x0  }
0x12: {  	s1 =	sld [smem:$0x3F88];
	s0 =	simm.s32 @p0 $0x1  }
0x13: {  	[smem:$0x3FA3] =	sst s0;
	s0 =	simm.s32 @!p1 $0x0  }
0x14: {  	s2 =	sld [smem:$0x3F87];
	s0 =	simm.s32 @p1 $0x1  }
0x15: {  	[smem:$0x3FA4] =	sst s0;
	s0 =	simm.s32 @!p2 $0x0  }
0x16: {  	s3 =	sld [smem:$0x3FDB];
	s0 =	simm.s32 @p2 $0x1  }
0x17: {  	s4 =	simm.s32 $0x1BF5;
	[smem:$0x3FA6] =	sst s0  }
0x18: {  	s0 =	sld [smem:$0x3F89];
	_ =	swait.ge [sflag:s4], $0x0  }
0x19: {  	s7 =	sld [smem:$0x3F8A]  }
0x1a: {  	s8 =	sadd.s32 $0xFFFFE003, lr  }
0x1b: {  	s9 =	sadd.s32 $0xFFFFFEF7, lr;
	s5 =	simm.s32 $0xFFFFFFFF;
	p2 =	slt.u32 s8, $0xFFFFF086  }
0x1c: {  	p1 =	slt.u32 s9, $0xF7A;
	s5 =	simm.s32 @!p2 $0x0  }
0x1d: {  	s5 =	simm.s32 @p1 $0x1;
	p0 =	seq.s32 s7, s2  }
0x1e: {  	s7 =	smul.u32 @!p0 $0xF7A, s2;
	p2 =	seq.s32 @!p0 s5, $0x0  }
0x1f: {  	s9 =	smul.u32 $0xF7A, s1;
	s8 =	simm.s32 @!p0 $0x1BF5;
	p2 =	por !p2, p0  }
0x20: {  	[sflag:s8] =	ssyncset.s32 @!p0 $0xFFFFF086;
	s6 =	sadd.s32 @!p0 s3, s7;
	s7 =	simm.s32 @!p0 $0x108  }
0x21: {  	s3 =	sadd.s32 s3, s9;
	s6 =	sadd.s32 @!p0 $0x88, s6;
	s7 =	simm.s32 @p2 $0x1082  }
0x22: {  	[simem:s7], [sflag:s8] =	dma.local @!p0 [hbm:s6], $0xF7A  }
0x23: {  	s9 =	sor.u32 $0xD0000000, s2;
	s6 =	simm.s32 $0x108;
	_ =	swait.ge @!p0 [sflag:s8], $0x0  }
0x24: {  	s3 =	sadd.s32 $0x88, s3;
	s6 =	simm.s32 @!p1 $0x1082;
	[sflag:s4] =	ssyncset.s32 $0xFFFFF086  }
0x25: {  	[simem:s6], [sflag:s4] =	dma.local [hbm:s3], $0xF7A  }
0x26: {  	[smem:$0x3F8A] =	sst s1;
	(tag) =	ssettag s2;
	_ =	strace s9  }
0x27: {  	s1 =	sld [smem:$0x3F9A]  }
0x28: {  	s2 =	sld [smem:$0x3F9B]  }
0x29: {  	s4 =	sld [smem:$0x3F9D]  }
0x2a: {  	p0 =	seq.s32 s5, $0x0;
	s5 =	sld [smem:$0x3F9E]  }
0x2b: {  	s6 =	sld [smem:$0x3F9F]  }
0x2c: {  	s7 =	sld [smem:$0x3FA0]  }
0x2d: {  	s3 =	simm.s32 $0x108;
	s8 =	sld [smem:$0x3FA1]  }
0x2e: {  	s3 =	simm.s32 @!p0 $0x1082;
	s9 =	sld [smem:$0x3FA2]  }
0x2f: {  	lr =	sadd.s32 s0, s3;
	s0 =	sld [smem:$0x3F99]  }
0x30: {  	s3 =	sld [smem:$0x3F9C]  }
0x31: {  	[smem:$0x3FA5] =	sst s10  }
0x32: {  	s10 =	sld [smem:$0x3FA3];
	_ =	sdelay $0x3  }
0x33: {  	p0 =	seq.s32 s10, $0x1;
	s10 =	sld [smem:$0x3FA5];
	_ =	sdelay $0x3  }
0x34: {  	[smem:$0x3FA5] =	sst s10  }
0x35: {  	s10 =	sld [smem:$0x3FA4];
	_ =	sdelay $0x3  }
0x36: {  	p1 =	seq.s32 s10, $0x1;
	s10 =	sld [smem:$0x3FA5];
	_ =	sdelay $0x3  }
0x37: {  	[smem:$0x3FA5] =	sst s10  }
0x38: {  	s10 =	sld [smem:$0x3FA6]  }
0x39: {  	_ = 	snop;
	(pc) =	sbr.ind lr, $3  }
0x3a: {  	_ = 	snop  }
0x3b: {  	_ = 	snop  }
0x3c: {  	p2 =	seq.s32 s10, $0x1;
	s10 =	sld [smem:$0x3FA5]  }
0x3d: {  	_ =	shalt  }
0x3e: {  	_ =	shalt  }
0x3f: {  	_ =	shalt  }
0x40: {  	_ =	shalt  }
0x41: {  	_ =	shalt  }
0x42: {  	_ =	shalt  }
0x43: {  	_ =	shalt  }
0x44: {  	_ =	shalt  }
0x45: {  	_ =	shalt  }
0x46: {  	_ =	shalt  }
0x47: {  	_ =	shalt  }
0x48: {  	_ =	shalt  }
0x49: {  	_ =	shalt  }
0x4a: {  	_ =	shalt  }
0x4b: {  	_ =	shalt  }
0x4c: {  	_ =	shalt  }
0x4d: {  	_ =	shalt  }
0x4e: {  	_ =	shalt  }
0x4f: {  	_ =	shalt  }
0x50: {  	_ =	shalt  }
0x51: {  	_ =	shalt  }
0x52: {  	_ =	shalt  }
0x53: {  	_ =	shalt  }
0x54: {  	_ =	shalt  }
0x55: {  	_ =	shalt  }
0x56: {  	_ =	shalt  }
0x57: {  	_ =	shalt  }
0x58: {  	_ =	shalt  }
0x59: {  	_ =	shalt  }
0x5a: {  	_ =	shalt  }
0x5b: {  	_ =	shalt  }
0x5c: {  	_ =	shalt  }
0x5d: {  	_ =	shalt  }
0x5e: {  	_ =	shalt  }
0x5f: {  	_ =	shalt  }
0x60: {  	_ =	shalt  }
0x61: {  	_ =	shalt  }
0x62: {  	_ =	shalt  }
0x63: {  	_ =	shalt  }
0x64: {  	_ =	shalt  }
0x65: {  	_ =	shalt  }
0x66: {  	_ =	shalt  }
0x67: {  	_ =	shalt  }
0x68: {  	_ =	shalt  }
0x69: {  	_ =	shalt  }
0x6a: {  	_ =	shalt  }
0x6b: {  	_ =	shalt  }
0x6c: {  	_ =	shalt  }
0x6d: {  	_ =	shalt  }
0x6e: {  	_ =	shalt  }
0x6f: {  	_ =	shalt  }
0x70: {  	_ =	shalt  }
0x71: {  	_ =	shalt  }
0x72: {  	_ =	shalt  }
0x73: {  	_ =	shalt  }
0x74: {  	_ =	shalt  }
0x75: {  	_ =	shalt  }
0x76: {  	_ =	shalt  }
0x77: {  	_ =	shalt  }
0x78: {  	_ =	shalt  }
0x79: {  	_ =	shalt  }
0x7a: {  	_ =	shalt  }
0x7b: {  	_ =	shalt  }
0x7c: {  	_ =	shalt  }
0x7d: {  	_ =	shalt  }
0x7e: {  	_ =	shalt  }
0x7f: {  	_ =	shalt  }
0x80: {  	_ =	shalt  }
0x81: {  	_ =	shalt  }
0x82: {  	_ =	shalt  }
0x83: {  	_ =	shalt  }
0x84: {  	_ =	shalt  }
0x85: {  	_ =	shalt  }
0x86: {  	_ =	shalt  }
0x87: {  	_ =	shalt  }
.Lfunc_end0:
.L_simem_size_0:
called_computation.1_lowered:
.L_overlay_start_0:
0x88: {  	s2 =	sld [smem:$0x3FD9]  }
0x89: {  	s3 =	sld [smem:$0x3FFE];
	_ =	sdelay $0x1  }
0x8a: {  	s1 =	srdreg.scid  }
0x8b: {  	s0 =	sand.u32 $0x1, s1  }
0x8c: {  	s16 =	sshll.u32 s0, $0xA;
	s2 =	sadd.s32 s3, s2  }
0x8d: {  	s2 =	sadd.s32 s2, s16  }
0x8e: {  	[smem:$0x3FB1] =	sst s2  }
0x8f: {  	_ = 	snop  }
0x90: {  	(tm) =	ssettm $0x1  }
0x91: {  	s17 =	sld [smem:$0x3FFB];
	_ =	sdelay $0x3  }
0x92: {  	_ =	strace s17  }
0x93: {  	s2 =	sld [smem:$0x3FFC];
	_ =	sdelay $0x3  }
0x94: {  	_ =	strace s2  }
0x95: {  	s2 =	sld [smem:$0x3FFD];
	_ =	sdelay $0x3  }
0x96: {  	_ =	strace s2  }
0x97: {  	_ =	strace $0x8FFFFFFF  }
0x98: {  	s18 =	sld [smem:$0x3FDB];
	_ =	sdelay $0x1  }
0x99: {  	s19 =	simm.s32 $_scs_section_size  }
0x9a: {  	s4 =	simm.s32 $_size__tile_overlayer_lowered;
	s5 =	simm.s32 $_tile_overlayer_lowered  }
0x9b: {  	s22 =	simm.s32 $0x1BFF;
	s21 =	sshll.u32 s5, $0x1;
	s2 =	sadd.s32 s19, s18  }
0x9c: {  	s6 =	simm.s32 $0x0;
	s20 =	sshll.u32 s4, $0x1;
	s4 =	sadd.s32 s21, s2  }
0x9d: {  	[timem:s6], [sflag:s22] =	dma.local [hbm:s4], s20  }
0x9e: {  	_ =	swait.ge [sflag:s22], s20  }
0x9f: {  	s3 =	ssub.s32 $0x0, s20;
	[sflag:s22] =	ssyncset.done $0x0  }
0xa0: {  	[sflag:s22] =	ssyncadd.s32 s3;
	_ =	sdelay $0x1  }
0xa1: {  	s23 =	simm.s32 $0x1B8B  }
0xa2: {  	_ =	swait.ge [sflag:s23], $0x1  }
0xa3: {  	[sflag:s23] =	ssyncset.done $0x0  }
0xa4: {  	s25 =	simm.s32 $0x1B8E;
	s24 =	sld [smem:$0x3FFE];
	[sflag:s23] =	ssyncadd.s32 $0xFFFFFFFF  }
0xa5: {  	s26 =	simm.s32 $execute0_lowered;
	[smem:$0x3FD2] =	sst s25  }
0xa6: {  	s4 =	sshll.u32 s26, $0x1;
	_ =	strace $0x80000049;
	[dreg:$0x1] =	wrdreg $0xFFFFFFFF  }
0xa7: {  	s28 =	simm.s32 $_size_execute0_lowered;
	s2 =	sadd.s32 s2, s4;
	[dreg:$0x0] =	wrdreg $0x0  }
0xa8: {  	s4 =	sshll.u32 s28, $0x1;
	[dreg:$0x2] =	wrdreg s2  }
0xa9: {  	[dreg:$0x3] =	wrdreg s4  }
0xaa: {  	[dreg:$0x4] =	wrdreg $0xC0  }
0xab: {  	_ =	task [dreg:s6], $0x5FFFF  }
0xac: {  	[dreg:$0x1] =	wrdreg $0xFFFFFFFF  }
0xad: {  	[dreg:$0x0] =	wrdreg $0x60  }
0xae: {  	[dreg:$0x2] =	wrdreg s24  }
0xaf: {  	[dreg:$0x3] =	wrdreg $0x30000  }
0xb0: {  	[dreg:$0x4] =	wrdreg $0x9  }
0xb1: {  	_ =	task.clear_ibuf [dreg:s6], $0x5FFFF;
	_ =	strace $0x90000049  }
0xb2: {  	s29 =	simm.s32 $0x9;
	_ =	strace $0x8000004B  }
0xb3: {  	_ =	swait.ge [sflag:s29], $0x1  }
0xb4: {  	[sflag:s29] =	ssyncadd.s32 $0xFFFFFFFF  }
0xb5: {  	_ =	strace $0x9000004B  }
0xb6: {  	_ =	sfence  }
0xb7: {  	s30 =	sld [smem:$0x0];
	_ =	sdelay $0x2  }
0xb8: {  	s31 =	sshll.u32 s1, $0xD;
	s1 =	sshrl.u32 s1, $0x2  }
0xb9: {  	s3 =	sand.u32 $0x4000, s31;
	s1 =	sadd.s32 s1, s30  }
0xba: {  	s0 =	sor.u32 s3, s0;
	s1 =	sshll.u32 s1, $0x11  }
0xbb: {  	s0 =	sor.u32 s1, s0  }
0xbc: {  	s0 =	sadd.s32 $0x8F2B, s0  }
0xbd: {  	[sflag:s0] =	ssyncadd.remote.s32 $0x1  }
0xbe: {  	_ =	sfence.sel $0xFFFF  }
0xbf: {  	[dreg:$0x0] =	wrdreg $0xFFFFFFFF;
	(pc) =	sbr.abs _section_cstart, $3  }
0xc0: {  	[dreg:$0x1] =	wrdreg $0xFFFFFFFF  }
0xc1: {  	_ =	task.clear_ibuf [dreg:s6], $0x2FFFF;
	_ =	strace $0x9FFFFFFF  }
0xc2: {  	(tm) =	ssettm $0x7FFFFFFF  }
0xc3: {  	_ =	shalt  }
tec
execute0_lowered:
.L_overlay_start_1:
0x0: {  	(tag) =	ssettag $0x1  }
0x1: {  	s8 =	rddreg [dreg:$0x0]  }
0x2: {  	s1 =	rddreg [dreg:$0x1]  }
0x3: {  	s0 =	rddreg [dreg:$0x2];
	s2 =	simm.s32 $0x0;
	s3 =	srdreg.scid  }
0x4: {  	s16 =	simm.s32 $0x1000;
	s17 =	simm.s32 $0x1;
	[smem:$0x7FF] =	sst s2  }
0x5: {  	s9 =	sand.u32 $0x1, s3;
	s4 =	sadd.s32 $0x2B200, s8;
	s3 =	stileid.u32  }
0x6: {  	s5 =	sadd.s32 $0x83400, s8;
	s6 =	sadd.s32 $0x79400, s8;
	s10 =	smul.u32 $0x27400, s9  }
0x7: {  	s7 =	sadd.s32 $0x97400, s8;
	_ =	strace $0x8000004A;
	s11 =	smul.u32 $0x13A00, s3  }
0x8: {  	s12 =	ssub.s32 $0x2, s9;
	s13 =	smul.u32 $0x50000, s9;
	s31 =	sshll.u32 s3, $0x6  }
0x9: {  	s30 =	sshrl.u32 s12, $0x1;
	s9 =	sor.u32 $0x1C02, s31;
	s14 =	sadd.s32 s10, s8  }
0xa: {  	s8 =	smul.u32 $0x5000, s3;
	s12 =	ssub.s32 s12, s30;
	s15 =	sadd.s32 s11, s1  }
0xb: {  	s19 =	sshrl.u32 s11, $0x3;
	s18 =	sadd.s32 $0x99C00, s14;
	s11 =	smax.u32 s12, $0x1  }
0xc: {  	s12 =	sshrl.u32 s15, $0x3;
	s14 =	simm.s32 $0x800;
	s15 =	simm.s32 $0x80  }
0xd: {  	s10 =	sadd.s32 s13, s8;
	s13 =	simm.s32 $0x2;
	s18 =	sadd.s32 s19, s18  }
.LBB2_1:
0xe: {  	[spmem:s12], [sflag:s9] =	dma.local [hbm:s7], $0x2740  }
0xf: {  	_ =	swait.ge [sflag:s13], $0x2740  }
0x10: {  	[sflag:s13] =	ssyncset.done $0x0  }
0x11: {  	[sflag:s13] =	ssyncadd.s32 $0xFFFFD8C0  }
0x12: {  	s19 =	simm.s32 $0x0;
	[bflag:$0x0] =	sbarrier.arrive $0xFFFF  }
.LBB2_2:
0x13: {  	s20 =	sshll.u32 s19, $0xB  }
0x14: {  	s21 =	sadd.s32 s10, s20  }
0x15: {  	s21 =	sshrl.u32 s21, $0x3  }
0x16: {  	s22 =	simm.s32 $0x0;
	s21 =	sadd.s32 s5, s21  }
0x17: {  	[tilespmem:s22], [sflag:$0x2] =	stream.linear.gather [hbm4b:s21+s22], $0x800, $0x38;
	[tilespmem:$0x16A00] =	vst v63  }
0x18: {  	s20 =	sadd.s32 s8, s20;
	_ =	swait.ge [sflag:s13], $0x800  }
0x19: {  	s20 =	sshrl.u32 s20, $0x3;
	[sflag:s13] =	ssyncset.done $0x0  }
0x1a: {  	s20 =	sadd.s32 s6, s20;
	[sflag:s13] =	ssyncadd.s32 $0xFFFFF800  }
0x1b: {  	[tilespmem:s14], [sflag:$0x2] =	stream.linear.gather [hbm4b:s20+s22], $0x800, $0x38;
	[tilespmem:$0x16A00] =	vst v63  }
0x1c: {  	_ =	swait.ge [sflag:s13], $0x800  }
0x1d: {  	[sflag:s13] =	ssyncset.done $0x0  }
0x1e: {  	s30 =	simm.s32 $0x0;
	[sflag:s13] =	ssyncadd.s32 $0xFFFFF800  }
0x1f: {  	[tilespmem:s16], [sflag:$0x1] =	stream.indirect.gather [hbm4b:s4+s15], $0x40, s30, s15, $0xb8;
	[tilespmem:$0x16A00] =	vst v63  }
0x20: {  	_ =	swait.ge [sflag:s17], $0x2000  }
0x21: {  	[sflag:s17] =	ssyncset.done $0x0  }
0x22: {  	s31 =	simm.s32 $0x800;
	[sflag:s17] =	ssyncadd.s32 $0xFFFFE000  }
0x23: {  	[spmem:s1] =	stream.indirect.scatter.add.f32 [tilespmem:s16], [sflag:$0x2], $0x40, s31, s15, $0xb8;
	[tilespmem:$0x16A00] =	vst v63  }
0x24: {  	_ =	swait.ge [sflag:s13], $0x2000  }
0x25: {  	s21 =	simm.s32 $0x400;
	s20 =	simm.s32 $0x200;
	[sflag:s13] =	ssyncset.done $0x0  }
.LBB2_3:
0x26: {  	s22 =	sshra.s32 s20, $0x2  }
0x27: {  	[sflag:s13] =	ssyncadd.s32 $0xFFFFE000;
	s20 =	smov.u32 s21;
	s23 =	sadd.s32 $0x200, s21  }
0x28: {  	[tilespmem:s16], [sflag:$0x1] =	stream.indirect.gather [hbm4b:s4+s15], $0x40, s22, s15, $0xb8;
	[tilespmem:$0x16A00] =	vst v63  }
0x29: {  	p0 =	sne.s32 s21, $0x1E00;
	_ =	swait.ge [sflag:s17], $0x2000  }
.Ltmp0:
0x2a: {  	[sflag:s17] =	ssyncset.done $0x0;
	(pc) =	sbr.rel @p0 .LBB2_3-.Ltmp0, $4  }
0x2b: {  	s21 =	sadd.s32 $0x800, s22;
	[sflag:s17] =	ssyncadd.s32 $0xFFFFE000  }
0x2c: {  	[spmem:s1] =	stream.indirect.scatter.add.f32 [tilespmem:s16], [sflag:$0x2], $0x40, s21, s15, $0xb8;
	[tilespmem:$0x16A00] =	vst v63  }
0x2d: {  	_ =	swait.ge [sflag:s13], $0x2000  }
0x2e: {  	s21 =	smov.u32 s23;
	[sflag:s13] =	ssyncset.done $0x0  }
0x2f: {  	s20 =	sshra.s32 s20, $0x2;
	[sflag:s13] =	ssyncadd.s32 $0xFFFFE000  }
0x30: {  	[tilespmem:s16], [sflag:$0x1] =	stream.indirect.gather [hbm4b:s4+s15], $0x40, s20, s15, $0xb8;
	[tilespmem:$0x16A00] =	vst v63  }
0x31: {  	s19 =	sadd.s32 $0x1, s19;
	_ =	swait.ge [sflag:s17], $0x2000  }
0x32: {  	p0 =	sne.s32 s19, $0xA;
	[sflag:s17] =	ssyncset.done $0x0  }
.Ltmp1:
0x33: {  	s20 =	sadd.s32 $0x800, s20;
	[sflag:s17] =	ssyncadd.s32 $0xFFFFE000;
	(pc) =	sbr.rel @p0 .LBB2_2-.Ltmp1, $4  }
0x34: {  	[spmem:s1] =	stream.indirect.scatter.add.f32 [tilespmem:s16], [sflag:$0x2], $0x40, s20, s15, $0xb8;
	[tilespmem:$0x16A00] =	vst v63  }
0x35: {  	_ =	swait.ge [sflag:s13], $0x2000  }
0x36: {  	[sflag:s13] =	ssyncset.done $0x0  }
0x37: {  	[sflag:s13] =	ssyncadd.s32 $0xFFFFE000  }
0x38: {  	s2 =	sadd.s32 $0x1, s2  }
0x39: {  	p0 =	sne.s32 s2, s11  }
.Ltmp2:
0x3a: {  	[bflag:$0x0] =	sbarrier.arrive $0xFFFF;
	(pc) =	sbr.rel @p0 .LBB2_1-.Ltmp2, $4  }
0x3b: {  	[hbm:s18], [sflag:s9] =	dma.local [spmem:s12], $0x2740  }
0x3c: {  	_ =	swait.ge [sflag:s13], $0x2740  }
0x3d: {  	[sflag:s13] =	ssyncset.done $0x0  }
0x3e: {  	[sflag:s13] =	ssyncadd.s32 $0xFFFFD8C0  }
0x3f: {  	_ =	sfence.sel $0x180000  }
0x40: {  	[bflag:$0x0] =	sbarrier.arrive $0xFFFF  }
0x41: {  	p0 =	sne.s32 s3, $0x0;
	_ =	strace $0x9000004A  }
0x42: {  	s0 =	sadd.s32 @!p0 $0x100000, s0;
	[bflag:$0x2] =	sbarrier.arrive $0xFFFF  }
0x43: {  	[sflag:s0] =	ssyncadd.tile.s32 @!p0 $0x1;
	_ =	shalt  }
.Lfunc_end2:
_tile_overlayer_lowered:
.L_overlay_start_2:
0x44: {  	(tag) =	ssettag $0x2  }
0x45: {  	s0 =	rddreg [dreg:$0x0];
	s2 =	stileid.u32  }
0x46: {  	s1 =	rddreg [dreg:$0x1];
	p0 =	sne.s32 s2, $0x0  }
0x47: {  	s3 =	rddreg [dreg:$0x2];
	[bflag:$0x3] =	sbarrier.arrive $0xFFFF;
	s2 =	simm.s32 @!p0 $0x1C02  }
0x48: {  	[timem:s3], [sflag:s2] =	dma.local @!p0 [hbm:s0], s1  }
0x49: {  	s0 =	simm.s32 @!p0 $0x2  }
0x4a: {  	_ =	swait.ge @!p0 [sflag:s0], s1  }
0x4b: {  	s1 =	ssub.s32 @!p0 $0x0, s1;
	[sflag:s0] =	ssyncset.done @!p0 $0x0  }
0x4c: {  	[sflag:s0] =	ssyncadd.s32 @!p0 s1  }
0x4d: {  	[bflag:$0x3] =	sbarrier.arrive $0xFFFF  }
0x4e: {  	_ =	shalt  }

</sc_bundles>
